<compile_context>
chip_gen: v7x
topology: tpu7x:2x2x1
jax: 0.10.2.dev20260603
libtpu: 0.0.44.dev20260713+nightly
codegen_flags: <defaults>
</compile_context>

<pallas_src>
import functools

import jax
import jax.numpy as jnp
from jax import lax
from jax.experimental import pallas as pl
from jax.experimental.pallas import tpu as pltpu
from jax.experimental.pallas import tpu_sc as plsc

N_NODES = 10000
N_EDGES = 320000
D = 128

NC = 2
NS = 16
NW = NC * NS
CH = 128
NCHUNK = N_EDGES // CH
FBASE = NCHUNK // NW
FEXTRA = NCHUNK - FBASE * NW

NPAD = 10112
RPT = NPAD // NS
NDEG = 10240
DPT = NDEG // NS

_mesh = plsc.VectorSubcoreMesh(core_axis_name="c", subcore_axis_name="s")


def _tile_range(wid):
    start = wid * FBASE + jnp.minimum(wid, FEXTRA)
    n = jnp.where(wid < FEXTRA, FBASE + 1, FBASE)
    return start, n


@functools.partial(
    pl.kernel,
    out_type=jax.ShapeDtypeStruct((NC, NDEG), jnp.float32),
    mesh=_mesh,
    scratch_types=[
        pltpu.VMEM_SHARED((NDEG,), jnp.float32),
        pltpu.VMEM((FBASE + 1, CH), jnp.int32),
        pltpu.VMEM((CH,), jnp.float32),
        pltpu.VMEM((DPT,), jnp.float32),
        pltpu.SemaphoreType.DMA,
        pltpu.SemaphoreType.DMA,
    ],
)
def _deg_kernel(ei_hbm, degp_hbm, deg_sh, dst_v, ones_v, zb_v, ssem, asem):
    cid = lax.axis_index("c")
    sid = lax.axis_index("s")
    wid = cid * NS + sid
    start, nch = _tile_range(wid)

    def sbody(j, _):
        pltpu.async_copy(ei_hbm.at[1, pl.ds((start + j) * CH, CH)],
                         dst_v.at[j], ssem)
        return 0

    lax.fori_loop(0, nch, sbody, 0)

    one16 = jnp.ones((16,), jnp.float32)
    z16 = jnp.zeros((16,), jnp.float32)
    for c in range(CH // 16):
        ones_v[pl.ds(c * 16, 16)] = one16

    def zvbody(c, _):
        zb_v[pl.ds(c * 16, 16)] = z16
        return 0

    lax.fori_loop(0, DPT // 16, zvbody, 0)
    pltpu.sync_copy(zb_v, deg_sh.at[pl.ds(sid * DPT, DPT)])
    plsc.subcore_barrier()

    def body(j, _):
        pltpu.make_async_copy(ei_hbm.at[1, pl.ds((start + j) * CH, CH)],
                              dst_v.at[j], ssem).wait()
        pltpu.async_copy(ones_v, deg_sh.at[dst_v.at[j]], asem, add=True)
        return 0

    lax.fori_loop(0, nch, body, 0)

    def dbody(j, _):
        pltpu.make_async_copy(ones_v, deg_sh.at[dst_v.at[j]], asem).wait()
        return 0

    lax.fori_loop(0, nch, dbody, 0)
    plsc.subcore_barrier()

    pltpu.sync_copy(deg_sh.at[pl.ds(sid * DPT, DPT)],
                    degp_hbm.at[cid, pl.ds(sid * DPT, DPT)])


@functools.partial(
    pl.kernel,
    out_type=jax.ShapeDtypeStruct((NC, NPAD, D), jnp.float32),
    mesh=_mesh,
    scratch_types=[
        pltpu.VMEM_SHARED((NPAD, D), jnp.float32),
        pltpu.VMEM((2, CH), jnp.int32),
        pltpu.VMEM((3, CH), jnp.int32),
        pltpu.VMEM((2, CH, D), jnp.float32),
        pltpu.SemaphoreType.DMA((2,)),
        pltpu.SemaphoreType.DMA((2,)),
        pltpu.SemaphoreType.DMA((3,)),
        pltpu.SemaphoreType.DMA((2,)),
    ],
)
def _scatter_kernel(hs_hbm, ei_hbm, p_hbm,
                    agg_sh, sidx_v, didx_v, rows_v, gsem, isem, dsem, asem):
    cid = lax.axis_index("c")
    sid = lax.axis_index("s")
    wid = cid * NS + sid
    start, nch = _tile_range(wid)

    def srcs(j):
        return ei_hbm.at[0, pl.ds((start + j) * CH, CH)]

    def dsts(j):
        return ei_hbm.at[1, pl.ds((start + j) * CH, CH)]

    pltpu.sync_copy(srcs(0), sidx_v.at[0])
    pltpu.sync_copy(dsts(0), didx_v.at[0])
    pltpu.async_copy(hs_hbm.at[sidx_v.at[0]], rows_v.at[0], gsem.at[0])
    pltpu.async_copy(srcs(1), sidx_v.at[1], isem.at[1])
    pltpu.async_copy(dsts(1), didx_v.at[1], dsem.at[1])

    z16 = jnp.zeros((16,), jnp.float32)

    def zbody(r, _):
        for c in range(D // 16):
            rows_v[1, r, pl.ds(c * 16, 16)] = z16
        return 0

    lax.fori_loop(0, CH, zbody, 0)
    for k in range(4):
        pltpu.sync_copy(rows_v.at[1],
                        agg_sh.at[pl.ds(sid * RPT + k * CH, CH)])
    pltpu.sync_copy(rows_v.at[1, pl.ds(0, RPT - 4 * CH)],
                    agg_sh.at[pl.ds(sid * RPT + 4 * CH, RPT - 4 * CH)])

    plsc.subcore_barrier()

    def body(j, _):
        b = lax.rem(j, 2)
        nb = lax.rem(j + 1, 2)
        m3 = lax.rem(j, 3)
        p3 = lax.rem(j + 2, 3)

        @pl.when(j >= 1)
        def _():
            pltpu.make_async_copy(
                rows_v.at[nb], agg_sh.at[didx_v.at[lax.rem(j - 1, 3)]],
                asem.at[nb]).wait()

        @pl.when(j + 1 < nch)
        def _():
            pltpu.make_async_copy(srcs(j + 1), sidx_v.at[nb],
                                  isem.at[nb]).wait()
            pltpu.async_copy(hs_hbm.at[sidx_v.at[nb]], rows_v.at[nb],
                             gsem.at[nb])

        pltpu.make_async_copy(hs_hbm.at[sidx_v.at[b]], rows_v.at[b],
                              gsem.at[b]).wait()

        @pl.when(j + 2 < nch)
        def _():
            pltpu.async_copy(srcs(j + 2), sidx_v.at[b], isem.at[b])

        @pl.when(j >= 1)
        def _():
            pltpu.make_async_copy(dsts(j), didx_v.at[m3], dsem.at[m3]).wait()

        pltpu.async_copy(rows_v.at[b], agg_sh.at[didx_v.at[m3]], asem.at[b],
                         add=True)

        @pl.when(j + 2 < nch)
        def _():
            pltpu.async_copy(dsts(j + 2), didx_v.at[p3], dsem.at[p3])

        return 0

    lax.fori_loop(0, nch, body, 0)

    lb = lax.rem(nch - 1, 2)
    lm = lax.rem(nch - 1, 3)
    pltpu.make_async_copy(rows_v.at[lb], agg_sh.at[didx_v.at[lm]],
                          asem.at[lb]).wait()
    plsc.subcore_barrier()

    pltpu.sync_copy(agg_sh.at[pl.ds(sid * RPT, RPT)],
                    p_hbm.at[cid, pl.ds(sid * RPT, RPT)])


def _mm_body(data_ref, wpre_ref, wpost_ref, h_ref):
    wc = jnp.dot(wpre_ref[...], wpost_ref[...], preferred_element_type=jnp.float32)
    h_ref[...] = jnp.dot(data_ref[...], wc, preferred_element_type=jnp.float32)


_mm_call = pl.pallas_call(
    _mm_body,
    out_shape=jax.ShapeDtypeStruct((N_NODES, D), jnp.float32),
)


def _isd_col(degp, n):
    deg = degp[0] + degp[1]
    isd = lax.rsqrt(jnp.maximum(deg, 1.0))
    return isd[:n, None]


def _scale_body(h_ref, degp_ref, hs_ref):
    hs_ref[0:N_NODES, :] = h_ref[...] * _isd_col(degp_ref[...], N_NODES)
    hs_ref[N_NODES:NPAD, :] = jnp.zeros((NPAD - N_NODES, D), jnp.float32)


_scale_call = pl.pallas_call(
    _scale_body,
    out_shape=jax.ShapeDtypeStruct((NPAD, D), jnp.float32),
)


def _post_body(p_ref, degp_ref, out_ref):
    s = p_ref[0] + p_ref[1]
    out_ref[...] = s[:N_NODES] * _isd_col(degp_ref[...], N_NODES)


_post_call = pl.pallas_call(
    _post_body,
    out_shape=jax.ShapeDtypeStruct((N_NODES, D), jnp.float32),
)


@jax.jit
def kernel(data, edge_index, W_pre, W_post):
    degp = _deg_kernel(edge_index)
    h = _mm_call(data, W_pre, W_post)
    hs = _scale_call(h, degp)
    p = _scatter_kernel(hs, edge_index)
    return _post_call(p, degp)

# --- scband reference (transcript-rebuilt; emitter-appended) ---
"""Pipeline reference for scband-gcn-10256381903258 (READ-ONLY COPY).

The authoritative reference and input builder live on the scoring server;
editing this copy changes nothing except your own understanding.
"""

import jax, jax.numpy as jnp
import numpy as np

N_NODES = 10000
N_EDGES = 320000
D_FEAT = 128


def setup_inputs(seed: int = 0) -> dict:
    key = jax.random.key(seed)
    k_x, k_e, k_wpre, k_wpost = (jax.random.fold_in(key, i) for i in range(4))
    data = jax.random.normal(k_x, (N_NODES, D_FEAT), dtype=jnp.float32)
    edge_index = jax.random.randint(k_e, (2, N_EDGES), 0, N_NODES, dtype=jnp.int64 if jax.config.jax_enable_x64 else jnp.int32).astype(jnp.int32)
    # learned params: module_pre and module_post linear weights (GCN layer)
    scale = 1.0 / np.sqrt(D_FEAT)
    W_pre = jax.random.normal(k_wpre, (D_FEAT, D_FEAT), dtype=jnp.float32) * scale
    W_post = jax.random.normal(k_wpost, (D_FEAT, D_FEAT), dtype=jnp.float32) * scale
    return {"data": data, "edge_index": edge_index, "W_pre": W_pre, "W_post": W_post}


def reference(data, edge_index, W_pre, W_post):
    # g.set_data('h', data)
    h = data
    # g.apply(module_pre, 'h') : pre-transform on nodes
    h = h @ W_pre
    # g.push(func, 'h') : message passing with symmetric degree normalization (GCN aggregation)
    src = edge_index[0]
    dst = edge_index[1]
    ones = jnp.ones((edge_index.shape[1],), dtype=h.dtype)
    deg = jnp.zeros((data.shape[0],), dtype=h.dtype).at[dst].add(ones)
    deg = jnp.maximum(deg, 1.0)
    inv_sqrt_deg = 1.0 / jnp.sqrt(deg)
    norm = inv_sqrt_deg[src] * inv_sqrt_deg[dst]
    msgs = h[src] * norm[:, None]
    agg = jnp.zeros_like(h).at[dst].add(msgs)
    # g.apply(module_post, 'h') : post-transform on nodes
    out = agg @ W_post
    # g.pop_data('h')
    return out

if __name__ == "__main__":
    import jax
    _d = setup_inputs()
    print(jax.jit(kernel)(*tuple(_d.values())))

</pallas_src>

<mosaic_0001>
#map = affine_map<(d0, d1) -> (0, 0)>
#map1 = affine_map<(d0, d1) -> (0, 0, 0)>
module attributes {stable_mosaic.version = 14 : i64} {
  func.func @_scatter_kernel(%arg0: i32, %arg1: i32, %arg2: memref<10112x128xf32, #tpu.memory_space<hbm>>, %arg3: memref<2x320000xi32, #tpu.memory_space<hbm>>, %arg4: memref<2x10112x128xf32, #tpu.memory_space<hbm>>, %arg5: memref<10112x128xf32, #tpu.memory_space<vmem_shared>>, %arg6: memref<2x128xi32, #tpu.memory_space<vmem>>, %arg7: memref<3x128xi32, #tpu.memory_space<vmem>>, %arg8: memref<2x128x128xf32, #tpu.memory_space<vmem>>, %arg9: memref<2x!tpu.dma_semaphore, #tpu.memory_space<semaphore_mem>>, %arg10: memref<2x!tpu.dma_semaphore, #tpu.memory_space<semaphore_mem>>, %arg11: memref<3x!tpu.dma_semaphore, #tpu.memory_space<semaphore_mem>>, %arg12: memref<2x!tpu.dma_semaphore, #tpu.memory_space<semaphore_mem>>) attributes {dimension_semantics = [#tpu.dimension_semantics<core_parallel>, #tpu.dimension_semantics<subcore_parallel>], iteration_bounds = array<i64: 2, 16>, scalar_prefetch = 0 : i64, scratch_operands = 8 : i64, tpu.core_type = #tpu.core_type<sc_vector_subcore>, window_params = [{transform_indices = #map}, {transform_indices = #map}, {transform_indices = #map1}]} {
    %mul3A = arith.constant 16 : i32
    %mul3A_0 = arith.muli %arg0, %mul3A : i32
    %add3A = arith.addi %mul3A_0, %arg1 : i32
    %mul3A_1 = arith.constant 78 : i32
    %mul3A_2 = arith.muli %add3A, %mul3A_1 : i32
    %min3A = arith.constant 4 : i32
    %min3A_3 = arith.minsi %add3A, %min3A : i32
    %add3A_4 = arith.addi %mul3A_2, %min3A_3 : i32
    %lt3A = arith.constant 4 : i32
    %lt3A_5 = arith.cmpi slt, %add3A, %lt3A : i32
    %jit3A = arith.constant 79 : i32
    %jit3A_6 = arith.constant 78 : i32
    %select_n3A = arith.select %lt3A_5, %jit3A, %jit3A_6 : i32
    %add3A_7 = arith.constant 0 : i32
    %add3A_8 = arith.addi %add3A_4, %add3A_7 : i32
    %mul3A_9 = arith.constant 128 : i32
    %mul3A_10 = arith.muli %add3A_8, %mul3A_9 : i32
    %run_scoped3A = arith.constant 0 : i32
    %run_scoped3A_11 = arith.constant 0 : i32
    "tpu.region"() ({
      %run_scoped3A_135 = tpu.sem_alloc : memref<!tpu.dma_semaphore, #tpu.memory_space<semaphore_mem>>
      %dma_start3A_136 = arith.constant 0 : i32
      %dma_start3A_137 = tpu.memref_slice %arg6[%run_scoped3A_11, %dma_start3A_136] : memref<2x128xi32, #tpu.memory_space<vmem>> -> memref<1x128xi32, #tpu.memory_space<vmem>>
      %dma_start3A_138 = tpu.memref_squeeze %dma_start3A_137 : memref<1x128xi32, #tpu.memory_space<vmem>> -> memref<128xi32, #tpu.memory_space<vmem>>
      %dma_start3A_139 = tpu.memref_slice %arg3[%run_scoped3A, %mul3A_10] : memref<2x320000xi32, #tpu.memory_space<hbm>> -> memref<1x128xi32, #tpu.memory_space<hbm>>
      %dma_start3A_140 = tpu.memref_squeeze %dma_start3A_139 : memref<1x128xi32, #tpu.memory_space<hbm>> -> memref<128xi32, #tpu.memory_space<hbm>>
      %dma_start3A_141 = arith.constant 0 : i32
      %dma_start3A_142 = tpu.memref_slice %arg6[%run_scoped3A_11, %dma_start3A_141] : memref<2x128xi32, #tpu.memory_space<vmem>> -> memref<1x128xi32, #tpu.memory_space<vmem>>
      %dma_start3A_143 = tpu.memref_squeeze %dma_start3A_142 : memref<1x128xi32, #tpu.memory_space<vmem>> -> memref<128xi32, #tpu.memory_space<vmem>>
      %dma_start3A_144 = tpu.memref_slice %arg3[%run_scoped3A, %mul3A_10] : memref<2x320000xi32, #tpu.memory_space<hbm>> -> memref<1x128xi32, #tpu.memory_space<hbm>>
      %dma_start3A_145 = tpu.memref_squeeze %dma_start3A_144 : memref<1x128xi32, #tpu.memory_space<hbm>> -> memref<128xi32, #tpu.memory_space<hbm>>
      tpu.enqueue_dma source(%dma_start3A_145 : memref<128xi32, #tpu.memory_space<hbm>>) target(%dma_start3A_143 : memref<128xi32, #tpu.memory_space<vmem>>) target_semaphore(%run_scoped3A_135 : memref<!tpu.dma_semaphore, #tpu.memory_space<semaphore_mem>>)
      %dma_wait3A_146 = arith.constant 0 : i32
      %dma_wait3A_147 = tpu.memref_slice %arg6[%run_scoped3A_11, %dma_wait3A_146] : memref<2x128xi32, #tpu.memory_space<vmem>> -> memref<1x128xi32, #tpu.memory_space<vmem>>
      %dma_wait3A_148 = tpu.memref_squeeze %dma_wait3A_147 : memref<1x128xi32, #tpu.memory_space<vmem>> -> memref<128xi32, #tpu.memory_space<vmem>>
      %dma_wait3A_149 = tpu.memref_slice %arg3[%run_scoped3A, %mul3A_10] : memref<2x320000xi32, #tpu.memory_space<hbm>> -> memref<1x128xi32, #tpu.memory_space<hbm>>
      %dma_wait3A_150 = tpu.memref_squeeze %dma_wait3A_149 : memref<1x128xi32, #tpu.memory_space<hbm>> -> memref<128xi32, #tpu.memory_space<hbm>>
      %dma_wait3A_151 = arith.constant 0 : i32
      %dma_wait3A_152 = tpu.memref_slice %arg6[%run_scoped3A_11, %dma_wait3A_151] : memref<2x128xi32, #tpu.memory_space<vmem>> -> memref<1x128xi32, #tpu.memory_space<vmem>>
      %dma_wait3A_153 = tpu.memref_squeeze %dma_wait3A_152 : memref<1x128xi32, #tpu.memory_space<vmem>> -> memref<128xi32, #tpu.memory_space<vmem>>
      %dma_wait3A_154 = tpu.memref_slice %arg3[%run_scoped3A, %mul3A_10] : memref<2x320000xi32, #tpu.memory_space<hbm>> -> memref<1x128xi32, #tpu.memory_space<hbm>>
      %dma_wait3A_155 = tpu.memref_squeeze %dma_wait3A_154 : memref<1x128xi32, #tpu.memory_space<hbm>> -> memref<128xi32, #tpu.memory_space<hbm>>
      tpu.wait_dma2 semaphore(%run_scoped3A_135 : memref<!tpu.dma_semaphore, #tpu.memory_space<semaphore_mem>>) src(%dma_wait3A_155 : memref<128xi32, #tpu.memory_space<hbm>>) dst(%dma_wait3A_153 : memref<128xi32, #tpu.memory_space<vmem>>)
      tpu.yield
    }) : () -> ()
    %add3A_12 = arith.constant 0 : i32
    %add3A_13 = arith.addi %add3A_4, %add3A_12 : i32
    %mul3A_14 = arith.constant 128 : i32
    %mul3A_15 = arith.muli %add3A_13, %mul3A_14 : i32
    %run_scoped3A_16 = arith.constant 1 : i32
    %run_scoped3A_17 = arith.constant 0 : i32
    "tpu.region"() ({
      %run_scoped3A_135 = tpu.sem_alloc : memref<!tpu.dma_semaphore, #tpu.memory_space<semaphore_mem>>
      %dma_start3A_136 = arith.constant 0 : i32
      %dma_start3A_137 = tpu.memref_slice %arg7[%run_scoped3A_17, %dma_start3A_136] : memref<3x128xi32, #tpu.memory_space<vmem>> -> memref<1x128xi32, #tpu.memory_space<vmem>>
      %dma_start3A_138 = tpu.memref_squeeze %dma_start3A_137 : memref<1x128xi32, #tpu.memory_space<vmem>> -> memref<128xi32, #tpu.memory_space<vmem>>
      %dma_start3A_139 = tpu.memref_slice %arg3[%run_scoped3A_16, %mul3A_15] : memref<2x320000xi32, #tpu.memory_space<hbm>> -> memref<1x128xi32, #tpu.memory_space<hbm>>
      %dma_start3A_140 = tpu.memref_squeeze %dma_start3A_139 : memref<1x128xi32, #tpu.memory_space<hbm>> -> memref<128xi32, #tpu.memory_space<hbm>>
      %dma_start3A_141 = arith.constant 0 : i32
      %dma_start3A_142 = tpu.memref_slice %arg7[%run_scoped3A_17, %dma_start3A_141] : memref<3x128xi32, #tpu.memory_space<vmem>> -> memref<1x128xi32, #tpu.memory_space<vmem>>
      %dma_start3A_143 = tpu.memref_squeeze %dma_start3A_142 : memref<1x128xi32, #tpu.memory_space<vmem>> -> memref<128xi32, #tpu.memory_space<vmem>>
      %dma_start3A_144 = tpu.memref_slice %arg3[%run_scoped3A_16, %mul3A_15] : memref<2x320000xi32, #tpu.memory_space<hbm>> -> memref<1x128xi32, #tpu.memory_space<hbm>>
      %dma_start3A_145 = tpu.memref_squeeze %dma_start3A_144 : memref<1x128xi32, #tpu.memory_space<hbm>> -> memref<128xi32, #tpu.memory_space<hbm>>
      tpu.enqueue_dma source(%dma_start3A_145 : memref<128xi32, #tpu.memory_space<hbm>>) target(%dma_start3A_143 : memref<128xi32, #tpu.memory_space<vmem>>) target_semaphore(%run_scoped3A_135 : memref<!tpu.dma_semaphore, #tpu.memory_space<semaphore_mem>>)
      %dma_wait3A_146 = arith.constant 0 : i32
      %dma_wait3A_147 = tpu.memref_slice %arg7[%run_scoped3A_17, %dma_wait3A_146] : memref<3x128xi32, #tpu.memory_space<vmem>> -> memref<1x128xi32, #tpu.memory_space<vmem>>
      %dma_wait3A_148 = tpu.memref_squeeze %dma_wait3A_147 : memref<1x128xi32, #tpu.memory_space<vmem>> -> memref<128xi32, #tpu.memory_space<vmem>>
      %dma_wait3A_149 = tpu.memref_slice %arg3[%run_scoped3A_16, %mul3A_15] : memref<2x320000xi32, #tpu.memory_space<hbm>> -> memref<1x128xi32, #tpu.memory_space<hbm>>
      %dma_wait3A_150 = tpu.memref_squeeze %dma_wait3A_149 : memref<1x128xi32, #tpu.memory_space<hbm>> -> memref<128xi32, #tpu.memory_space<hbm>>
      %dma_wait3A_151 = arith.constant 0 : i32
      %dma_wait3A_152 = tpu.memref_slice %arg7[%run_scoped3A_17, %dma_wait3A_151] : memref<3x128xi32, #tpu.memory_space<vmem>> -> memref<1x128xi32, #tpu.memory_space<vmem>>
      %dma_wait3A_153 = tpu.memref_squeeze %dma_wait3A_152 : memref<1x128xi32, #tpu.memory_space<vmem>> -> memref<128xi32, #tpu.memory_space<vmem>>
      %dma_wait3A_154 = tpu.memref_slice %arg3[%run_scoped3A_16, %mul3A_15] : memref<2x320000xi32, #tpu.memory_space<hbm>> -> memref<1x128xi32, #tpu.memory_space<hbm>>
      %dma_wait3A_155 = tpu.memref_squeeze %dma_wait3A_154 : memref<1x128xi32, #tpu.memory_space<hbm>> -> memref<128xi32, #tpu.memory_space<hbm>>
      tpu.wait_dma2 semaphore(%run_scoped3A_135 : memref<!tpu.dma_semaphore, #tpu.memory_space<semaphore_mem>>) src(%dma_wait3A_155 : memref<128xi32, #tpu.memory_space<hbm>>) dst(%dma_wait3A_153 : memref<128xi32, #tpu.memory_space<vmem>>)
      tpu.yield
    }) : () -> ()
    %dma_start3A = arith.constant 0 : i32
    %dma_start3A_18 = arith.constant 0 : i32
    %dma_start3A_19 = arith.constant 0 : i32
    %dma_start3A_20 = arith.constant 0 : i32
    %dma_start3A_21 = arith.constant 0 : i32
    %dma_start3A_22 = tpu.memref_slice %arg8[%dma_start3A_18, %dma_start3A_20, %dma_start3A_21] : memref<2x128x128xf32, #tpu.memory_space<vmem>> -> memref<1x128x128xf32, #tpu.memory_space<vmem>>
    %dma_start3A_23 = tpu.memref_squeeze %dma_start3A_22 : memref<1x128x128xf32, #tpu.memory_space<vmem>> -> memref<128x128xf32, #tpu.memory_space<vmem>>
    %dma_start3A_24 = arith.constant 0 : i32
    %dma_start3A_25 = tpu.memref_slice %arg6[%dma_start3A, %dma_start3A_24] : memref<2x128xi32, #tpu.memory_space<vmem>> -> memref<1x128xi32, #tpu.memory_space<vmem>>
    %dma_start3A_26 = tpu.memref_squeeze %dma_start3A_25 : memref<1x128xi32, #tpu.memory_space<vmem>> -> memref<128xi32, #tpu.memory_space<vmem>>
    %dma_start3A_27 = arith.constant 0 : i32
    %dma_start3A_28 = arith.constant 0 : i32
    %dma_start3A_29 = tpu.memref_slice %arg2[%dma_start3A_27, %dma_start3A_28] : memref<10112x128xf32, #tpu.memory_space<hbm>> -> memref<10112x128xf32, #tpu.memory_space<hbm>>
    %dma_start3A_30 = tpu.memref_slice %arg9[%dma_start3A_19] : memref<2x!tpu.dma_semaphore, #tpu.memory_space<semaphore_mem>> -> memref<1x!tpu.dma_semaphore, #tpu.memory_space<semaphore_mem>>
    %dma_start3A_31 = tpu.memref_squeeze %dma_start3A_30 : memref<1x!tpu.dma_semaphore, #tpu.memory_space<semaphore_mem>> -> memref<!tpu.dma_semaphore, #tpu.memory_space<semaphore_mem>>
    tpu.enqueue_indirect_dma source(%dma_start3A_29 : memref<10112x128xf32, #tpu.memory_space<hbm>>) target(%dma_start3A_23 : memref<128x128xf32, #tpu.memory_space<vmem>>) offsets(%dma_start3A_26 : memref<128xi32, #tpu.memory_space<vmem>>) semaphore(%dma_start3A_31 : memref<!tpu.dma_semaphore, #tpu.memory_space<semaphore_mem>>)
    %add3A_32 = arith.constant 1 : i32
    %add3A_33 = arith.addi %add3A_4, %add3A_32 : i32
    %mul3A_34 = arith.constant 128 : i32
    %mul3A_35 = arith.muli %add3A_33, %mul3A_34 : i32
    %dma_start3A_36 = arith.constant 0 : i32
    %dma_start3A_37 = arith.constant 1 : i32
    %dma_start3A_38 = arith.constant 1 : i32
    %dma_start3A_39 = arith.constant 0 : i32
    %dma_start3A_40 = tpu.memref_slice %arg6[%dma_start3A_37, %dma_start3A_39] : memref<2x128xi32, #tpu.memory_space<vmem>> -> memref<1x128xi32, #tpu.memory_space<vmem>>
    %dma_start3A_41 = tpu.memref_squeeze %dma_start3A_40 : memref<1x128xi32, #tpu.memory_space<vmem>> -> memref<128xi32, #tpu.memory_space<vmem>>
    %dma_start3A_42 = tpu.memref_slice %arg3[%dma_start3A_36, %mul3A_35] : memref<2x320000xi32, #tpu.memory_space<hbm>> -> memref<1x128xi32, #tpu.memory_space<hbm>>
    %dma_start3A_43 = tpu.memref_squeeze %dma_start3A_42 : memref<1x128xi32, #tpu.memory_space<hbm>> -> memref<128xi32, #tpu.memory_space<hbm>>
    %dma_start3A_44 = tpu.memref_slice %arg10[%dma_start3A_38] : memref<2x!tpu.dma_semaphore, #tpu.memory_space<semaphore_mem>> -> memref<1x!tpu.dma_semaphore, #tpu.memory_space<semaphore_mem>>
    %dma_start3A_45 = tpu.memref_squeeze %dma_start3A_44 : memref<1x!tpu.dma_semaphore, #tpu.memory_space<semaphore_mem>> -> memref<!tpu.dma_semaphore, #tpu.memory_space<semaphore_mem>>
    %dma_start3A_46 = arith.constant 0 : i32
    %dma_start3A_47 = tpu.memref_slice %arg6[%dma_start3A_37, %dma_start3A_46] : memref<2x128xi32, #tpu.memory_space<vmem>> -> memref<1x128xi32, #tpu.memory_space<vmem>>
    %dma_start3A_48 = tpu.memref_squeeze %dma_start3A_47 : memref<1x128xi32, #tpu.memory_space<vmem>> -> memref<128xi32, #tpu.memory_space<vmem>>
    %dma_start3A_49 = tpu.memref_slice %arg3[%dma_start3A_36, %mul3A_35] : memref<2x320000xi32, #tpu.memory_space<hbm>> -> memref<1x128xi32, #tpu.memory_space<hbm>>
    %dma_start3A_50 = tpu.memref_squeeze %dma_start3A_49 : memref<1x128xi32, #tpu.memory_space<hbm>> -> memref<128xi32, #tpu.memory_space<hbm>>
    tpu.enqueue_dma source(%dma_start3A_50 : memref<128xi32, #tpu.memory_space<hbm>>) target(%dma_start3A_48 : memref<128xi32, #tpu.memory_space<vmem>>) target_semaphore(%dma_start3A_45 : memref<!tpu.dma_semaphore, #tpu.memory_space<semaphore_mem>>)
    %add3A_51 = arith.constant 1 : i32
    %add3A_52 = arith.addi %add3A_4, %add3A_51 : i32
    %mul3A_53 = arith.constant 128 : i32
    %mul3A_54 = arith.muli %add3A_52, %mul3A_53 : i32
    %dma_start3A_55 = arith.constant 1 : i32
    %dma_start3A_56 = arith.constant 1 : i32
    %dma_start3A_57 = arith.constant 1 : i32
    %dma_start3A_58 = arith.constant 0 : i32
    %dma_start3A_59 = tpu.memref_slice %arg7[%dma_start3A_56, %dma_start3A_58] : memref<3x128xi32, #tpu.memory_space<vmem>> -> memref<1x128xi32, #tpu.memory_space<vmem>>
    %dma_start3A_60 = tpu.memref_squeeze %dma_start3A_59 : memref<1x128xi32, #tpu.memory_space<vmem>> -> memref<128xi32, #tpu.memory_space<vmem>>
    %dma_start3A_61 = tpu.memref_slice %arg3[%dma_start3A_55, %mul3A_54] : memref<2x320000xi32, #tpu.memory_space<hbm>> -> memref<1x128xi32, #tpu.memory_space<hbm>>
    %dma_start3A_62 = tpu.memref_squeeze %dma_start3A_61 : memref<1x128xi32, #tpu.memory_space<hbm>> -> memref<128xi32, #tpu.memory_space<hbm>>
    %dma_start3A_63 = tpu.memref_slice %arg11[%dma_start3A_57] : memref<3x!tpu.dma_semaphore, #tpu.memory_space<semaphore_mem>> -> memref<1x!tpu.dma_semaphore, #tpu.memory_space<semaphore_mem>>
    %dma_start3A_64 = tpu.memref_squeeze %dma_start3A_63 : memref<1x!tpu.dma_semaphore, #tpu.memory_space<semaphore_mem>> -> memref<!tpu.dma_semaphore, #tpu.memory_space<semaphore_mem>>
    %dma_start3A_65 = arith.constant 0 : i32
    %dma_start3A_66 = tpu.memref_slice %arg7[%dma_start3A_56, %dma_start3A_65] : memref<3x128xi32, #tpu.memory_space<vmem>> -> memref<1x128xi32, #tpu.memory_space<vmem>>
    %dma_start3A_67 = tpu.memref_squeeze %dma_start3A_66 : memref<1x128xi32, #tpu.memory_space<vmem>> -> memref<128xi32, #tpu.memory_space<vmem>>
    %dma_start3A_68 = tpu.memref_slice %arg3[%dma_start3A_55, %mul3A_54] : memref<2x320000xi32, #tpu.memory_space<hbm>> -> memref<1x128xi32, #tpu.memory_space<hbm>>
    %dma_start3A_69 = tpu.memref_squeeze %dma_start3A_68 : memref<1x128xi32, #tpu.memory_space<hbm>> -> memref<128xi32, #tpu.memory_space<hbm>>
    tpu.enqueue_dma source(%dma_start3A_69 : memref<128xi32, #tpu.memory_space<hbm>>) target(%dma_start3A_67 : memref<128xi32, #tpu.memory_space<vmem>>) target_semaphore(%dma_start3A_64 : memref<!tpu.dma_semaphore, #tpu.memory_space<semaphore_mem>>)
    %broadcast_in_dim3A = arith.constant 0.000000e+00 : f32
    %broadcast_in_dim3A_70 = vector.broadcast %broadcast_in_dim3A : f32 to vector<16xf32>
    %scan3A = arith.constant 0 : i32
    %scan3A_71 = arith.constant 0 : i32
    %scan3A_72 = arith.constant 128 : i32
    %scan3A_73 = arith.addi %scan3A_71, %scan3A_72 : i32
    %scan3A_74 = arith.constant 1 : i32
    %scan3A_75 = scf.for %scan3A_135 = %scan3A_71 to %scan3A_73 step %scan3A_74 iter_args(%scan3A_136 = %scan3A) -> (i32)  : i32 {
      %swap3A = arith.constant 1 : i32
      %swap3A_137 = arith.index_cast %swap3A : i32 to index
      %swap3A_138 = arith.index_cast %scan3A_135 : i32 to index
      %swap3A_139 = arith.constant 0 : index
      %swap3A_140 = tpu.vector_load %arg8[%swap3A_137, %swap3A_138, %swap3A_139] {strides = array<i32>} : memref<2x128x128xf32, #tpu.memory_space<vmem>>, vector<1x1x16xf32>,
      %swap3A_141 = vector.shape_cast %swap3A_140 : vector<1x1x16xf32> to vector<16xf32>
      %swap3A_142 = vector.shape_cast %broadcast_in_dim3A_70 : vector<16xf32> to vector<1x1x16xf32>
      tpu.vector_store %arg8[%swap3A_137, %swap3A_138, %swap3A_139], %swap3A_142 {strides = array<i32>} : memref<2x128x128xf32, #tpu.memory_space<vmem>>, vector<1x1x16xf32>,
      %swap3A_143 = arith.constant 1 : i32
      %swap3A_144 = arith.index_cast %swap3A_143 : i32 to index
      %swap3A_145 = arith.index_cast %scan3A_135 : i32 to index
      %swap3A_146 = arith.constant 16 : index
      %swap3A_147 = tpu.vector_load %arg8[%swap3A_144, %swap3A_145, %swap3A_146] {strides = array<i32>} : memref<2x128x128xf32, #tpu.memory_space<vmem>>, vector<1x1x16xf32>,
      %swap3A_148 = vector.shape_cast %swap3A_147 : vector<1x1x16xf32> to vector<16xf32>
      %swap3A_149 = vector.shape_cast %broadcast_in_dim3A_70 : vector<16xf32> to vector<1x1x16xf32>
      tpu.vector_store %arg8[%swap3A_144, %swap3A_145, %swap3A_146], %swap3A_149 {strides = array<i32>} : memref<2x128x128xf32, #tpu.memory_space<vmem>>, vector<1x1x16xf32>,
      %swap3A_150 = arith.constant 1 : i32
      %swap3A_151 = arith.index_cast %swap3A_150 : i32 to index
      %swap3A_152 = arith.index_cast %scan3A_135 : i32 to index
      %swap3A_153 = arith.constant 32 : index
      %swap3A_154 = tpu.vector_load %arg8[%swap3A_151, %swap3A_152, %swap3A_153] {strides = array<i32>} : memref<2x128x128xf32, #tpu.memory_space<vmem>>, vector<1x1x16xf32>,
      %swap3A_155 = vector.shape_cast %swap3A_154 : vector<1x1x16xf32> to vector<16xf32>
      %swap3A_156 = vector.shape_cast %broadcast_in_dim3A_70 : vector<16xf32> to vector<1x1x16xf32>
      tpu.vector_store %arg8[%swap3A_151, %swap3A_152, %swap3A_153], %swap3A_156 {strides = array<i32>} : memref<2x128x128xf32, #tpu.memory_space<vmem>>, vector<1x1x16xf32>,
      %swap3A_157 = arith.constant 1 : i32
      %swap3A_158 = arith.index_cast %swap3A_157 : i32 to index
      %swap3A_159 = arith.index_cast %scan3A_135 : i32 to index
      %swap3A_160 = arith.constant 48 : index
      %swap3A_161 = tpu.vector_load %arg8[%swap3A_158, %swap3A_159, %swap3A_160] {strides = array<i32>} : memref<2x128x128xf32, #tpu.memory_space<vmem>>, vector<1x1x16xf32>,
      %swap3A_162 = vector.shape_cast %swap3A_161 : vector<1x1x16xf32> to vector<16xf32>
      %swap3A_163 = vector.shape_cast %broadcast_in_dim3A_70 : vector<16xf32> to vector<1x1x16xf32>
      tpu.vector_store %arg8[%swap3A_158, %swap3A_159, %swap3A_160], %swap3A_163 {strides = array<i32>} : memref<2x128x128xf32, #tpu.memory_space<vmem>>, vector<1x1x16xf32>,
      %swap3A_164 = arith.constant 1 : i32
      %swap3A_165 = arith.index_cast %swap3A_164 : i32 to index
      %swap3A_166 = arith.index_cast %scan3A_135 : i32 to index
      %swap3A_167 = arith.constant 64 : index
      %swap3A_168 = tpu.vector_load %arg8[%swap3A_165, %swap3A_166, %swap3A_167] {strides = array<i32>} : memref<2x128x128xf32, #tpu.memory_space<vmem>>, vector<1x1x16xf32>,
      %swap3A_169 = vector.shape_cast %swap3A_168 : vector<1x1x16xf32> to vector<16xf32>
      %swap3A_170 = vector.shape_cast %broadcast_in_dim3A_70 : vector<16xf32> to vector<1x1x16xf32>
      tpu.vector_store %arg8[%swap3A_165, %swap3A_166, %swap3A_167], %swap3A_170 {strides = array<i32>} : memref<2x128x128xf32, #tpu.memory_space<vmem>>, vector<1x1x16xf32>,
      %swap3A_171 = arith.constant 1 : i32
      %swap3A_172 = arith.index_cast %swap3A_171 : i32 to index
      %swap3A_173 = arith.index_cast %scan3A_135 : i32 to index
      %swap3A_174 = arith.constant 80 : index
      %swap3A_175 = tpu.vector_load %arg8[%swap3A_172, %swap3A_173, %swap3A_174] {strides = array<i32>} : memref<2x128x128xf32, #tpu.memory_space<vmem>>, vector<1x1x16xf32>,
      %swap3A_176 = vector.shape_cast %swap3A_175 : vector<1x1x16xf32> to vector<16xf32>
      %swap3A_177 = vector.shape_cast %broadcast_in_dim3A_70 : vector<16xf32> to vector<1x1x16xf32>
      tpu.vector_store %arg8[%swap3A_172, %swap3A_173, %swap3A_174], %swap3A_177 {strides = array<i32>} : memref<2x128x128xf32, #tpu.memory_space<vmem>>, vector<1x1x16xf32>,
      %swap3A_178 = arith.constant 1 : i32
      %swap3A_179 = arith.index_cast %swap3A_178 : i32 to index
      %swap3A_180 = arith.index_cast %scan3A_135 : i32 to index
      %swap3A_181 = arith.constant 96 : index
      %swap3A_182 = tpu.vector_load %arg8[%swap3A_179, %swap3A_180, %swap3A_181] {strides = array<i32>} : memref<2x128x128xf32, #tpu.memory_space<vmem>>, vector<1x1x16xf32>,
      %swap3A_183 = vector.shape_cast %swap3A_182 : vector<1x1x16xf32> to vector<16xf32>
      %swap3A_184 = vector.shape_cast %broadcast_in_dim3A_70 : vector<16xf32> to vector<1x1x16xf32>
      tpu.vector_store %arg8[%swap3A_179, %swap3A_180, %swap3A_181], %swap3A_184 {strides = array<i32>} : memref<2x128x128xf32, #tpu.memory_space<vmem>>, vector<1x1x16xf32>,
      %swap3A_185 = arith.constant 1 : i32
      %swap3A_186 = arith.index_cast %swap3A_185 : i32 to index
      %swap3A_187 = arith.index_cast %scan3A_135 : i32 to index
      %swap3A_188 = arith.constant 112 : index
      %swap3A_189 = tpu.vector_load %arg8[%swap3A_186, %swap3A_187, %swap3A_188] {strides = array<i32>} : memref<2x128x128xf32, #tpu.memory_space<vmem>>, vector<1x1x16xf32>,
      %swap3A_190 = vector.shape_cast %swap3A_189 : vector<1x1x16xf32> to vector<16xf32>
      %swap3A_191 = vector.shape_cast %broadcast_in_dim3A_70 : vector<16xf32> to vector<1x1x16xf32>
      tpu.vector_store %arg8[%swap3A_186, %swap3A_187, %swap3A_188], %swap3A_191 {strides = array<i32>} : memref<2x128x128xf32, #tpu.memory_space<vmem>>, vector<1x1x16xf32>,
      %scan3A_192 = arith.constant 0 : i32
      scf.yield %scan3A_192 : i32
    }
    %scan3A_76 = arith.constant 128 : i32
    %mul3A_77 = arith.constant 632 : i32
    %mul3A_78 = arith.muli %arg1, %mul3A_77 : i32
    %add3A_79 = arith.constant 0 : i32
    %add3A_80 = arith.addi %mul3A_78, %add3A_79 : i32
    %run_scoped3A_81 = arith.constant 1 : i32
    "tpu.region"() ({
      %run_scoped3A_135 = tpu.sem_alloc : memref<!tpu.dma_semaphore, #tpu.memory_space<semaphore_mem>>
      %dma_start3A_136 = arith.constant 0 : i32
      %dma_start3A_137 = arith.constant 0 : i32
      %dma_start3A_138 = tpu.memref_slice %arg8[%run_scoped3A_81, %dma_start3A_136, %dma_start3A_137] : memref<2x128x128xf32, #tpu.memory_space<vmem>> -> memref<1x128x128xf32, #tpu.memory_space<vmem>>
      %dma_start3A_139 = tpu.memref_squeeze %dma_start3A_138 : memref<1x128x128xf32, #tpu.memory_space<vmem>> -> memref<128x128xf32, #tpu.memory_space<vmem>>
      %dma_start3A_140 = arith.constant 0 : i32
      %dma_start3A_141 = tpu.memref_slice %arg5[%add3A_80, %dma_start3A_140] : memref<10112x128xf32, #tpu.memory_space<vmem_shared>> -> memref<128x128xf32, #tpu.memory_space<vmem_shared>>
      %dma_start3A_142 = arith.constant 0 : i32
      %dma_start3A_143 = tpu.memref_slice %arg5[%add3A_80, %dma_start3A_142] : memref<10112x128xf32, #tpu.memory_space<vmem_shared>> -> memref<128x128xf32, #tpu.memory_space<vmem_shared>>
      %dma_start3A_144 = arith.constant 0 : i32
      %dma_start3A_145 = arith.constant 0 : i32
      %dma_start3A_146 = tpu.memref_slice %arg8[%run_scoped3A_81, %dma_start3A_144, %dma_start3A_145] : memref<2x128x128xf32, #tpu.memory_space<vmem>> -> memref<1x128x128xf32, #tpu.memory_space<vmem>>
      %dma_start3A_147 = tpu.memref_squeeze %dma_start3A_146 : memref<1x128x128xf32, #tpu.memory_space<vmem>> -> memref<128x128xf32, #tpu.memory_space<vmem>>
      tpu.enqueue_dma source(%dma_start3A_147 : memref<128x128xf32, #tpu.memory_space<vmem>>) target(%dma_start3A_143 : memref<128x128xf32, #tpu.memory_space<vmem_shared>>) target_semaphore(%run_scoped3A_135 : memref<!tpu.dma_semaphore, #tpu.memory_space<semaphore_mem>>)
      %dma_wait3A_148 = arith.constant 0 : i32
      %dma_wait3A_149 = arith.constant 0 : i32
      %dma_wait3A_150 = tpu.memref_slice %arg8[%run_scoped3A_81, %dma_wait3A_148, %dma_wait3A_149] : memref<2x128x128xf32, #tpu.memory_space<vmem>> -> memref<1x128x128xf32, #tpu.memory_space<vmem>>
      %dma_wait3A_151 = tpu.memref_squeeze %dma_wait3A_150 : memref<1x128x128xf32, #tpu.memory_space<vmem>> -> memref<128x128xf32, #tpu.memory_space<vmem>>
      %dma_wait3A_152 = arith.constant 0 : i32
      %dma_wait3A_153 = tpu.memref_slice %arg5[%add3A_80, %dma_wait3A_152] : memref<10112x128xf32, #tpu.memory_space<vmem_shared>> -> memref<128x128xf32, #tpu.memory_space<vmem_shared>>
      %dma_wait3A_154 = arith.constant 0 : i32
      %dma_wait3A_155 = tpu.memref_slice %arg5[%add3A_80, %dma_wait3A_154] : memref<10112x128xf32, #tpu.memory_space<vmem_shared>> -> memref<128x128xf32, #tpu.memory_space<vmem_shared>>
      %dma_wait3A_156 = arith.constant 0 : i32
      %dma_wait3A_157 = arith.constant 0 : i32
      %dma_wait3A_158 = tpu.memref_slice %arg8[%run_scoped3A_81, %dma_wait3A_156, %dma_wait3A_157] : memref<2x128x128xf32, #tpu.memory_space<vmem>> -> memref<1x128x128xf32, #tpu.memory_space<vmem>>
      %dma_wait3A_159 = tpu.memref_squeeze %dma_wait3A_158 : memref<1x128x128xf32, #tpu.memory_space<vmem>> -> memref<128x128xf32, #tpu.memory_space<vmem>>
      tpu.wait_dma2 semaphore(%run_scoped3A_135 : memref<!tpu.dma_semaphore, #tpu.memory_space<semaphore_mem>>) src(%dma_wait3A_159 : memref<128x128xf32, #tpu.memory_space<vmem>>) dst(%dma_wait3A_155 : memref<128x128xf32, #tpu.memory_space<vmem_shared>>)
      tpu.yield
    }) : () -> ()
    %mul3A_82 = arith.constant 632 : i32
    %mul3A_83 = arith.muli %arg1, %mul3A_82 : i32
    %add3A_84 = arith.constant 128 : i32
    %add3A_85 = arith.addi %mul3A_83, %add3A_84 : i32
    %run_scoped3A_86 = arith.constant 1 : i32
    "tpu.region"() ({
      %run_scoped3A_135 = tpu.sem_alloc : memref<!tpu.dma_semaphore, #tpu.memory_space<semaphore_mem>>
      %dma_start3A_136 = arith.constant 0 : i32
      %dma_start3A_137 = arith.constant 0 : i32
      %dma_start3A_138 = tpu.memref_slice %arg8[%run_scoped3A_86, %dma_start3A_136, %dma_start3A_137] : memref<2x128x128xf32, #tpu.memory_space<vmem>> -> memref<1x128x128xf32, #tpu.memory_space<vmem>>
      %dma_start3A_139 = tpu.memref_squeeze %dma_start3A_138 : memref<1x128x128xf32, #tpu.memory_space<vmem>> -> memref<128x128xf32, #tpu.memory_space<vmem>>
      %dma_start3A_140 = arith.constant 0 : i32
      %dma_start3A_141 = tpu.memref_slice %arg5[%add3A_85, %dma_start3A_140] : memref<10112x128xf32, #tpu.memory_space<vmem_shared>> -> memref<128x128xf32, #tpu.memory_space<vmem_shared>>
      %dma_start3A_142 = arith.constant 0 : i32
      %dma_start3A_143 = tpu.memref_slice %arg5[%add3A_85, %dma_start3A_142] : memref<10112x128xf32, #tpu.memory_space<vmem_shared>> -> memref<128x128xf32, #tpu.memory_space<vmem_shared>>
      %dma_start3A_144 = arith.constant 0 : i32
      %dma_start3A_145 = arith.constant 0 : i32
      %dma_start3A_146 = tpu.memref_slice %arg8[%run_scoped3A_86, %dma_start3A_144, %dma_start3A_145] : memref<2x128x128xf32, #tpu.memory_space<vmem>> -> memref<1x128x128xf32, #tpu.memory_space<vmem>>
      %dma_start3A_147 = tpu.memref_squeeze %dma_start3A_146 : memref<1x128x128xf32, #tpu.memory_space<vmem>> -> memref<128x128xf32, #tpu.memory_space<vmem>>
      tpu.enqueue_dma source(%dma_start3A_147 : memref<128x128xf32, #tpu.memory_space<vmem>>) target(%dma_start3A_143 : memref<128x128xf32, #tpu.memory_space<vmem_shared>>) target_semaphore(%run_scoped3A_135 : memref<!tpu.dma_semaphore, #tpu.memory_space<semaphore_mem>>)
      %dma_wait3A_148 = arith.constant 0 : i32
      %dma_wait3A_149 = arith.constant 0 : i32
      %dma_wait3A_150 = tpu.memref_slice %arg8[%run_scoped3A_86, %dma_wait3A_148, %dma_wait3A_149] : memref<2x128x128xf32, #tpu.memory_space<vmem>> -> memref<1x128x128xf32, #tpu.memory_space<vmem>>
      %dma_wait3A_151 = tpu.memref_squeeze %dma_wait3A_150 : memref<1x128x128xf32, #tpu.memory_space<vmem>> -> memref<128x128xf32, #tpu.memory_space<vmem>>
      %dma_wait3A_152 = arith.constant 0 : i32
      %dma_wait3A_153 = tpu.memref_slice %arg5[%add3A_85, %dma_wait3A_152] : memref<10112x128xf32, #tpu.memory_space<vmem_shared>> -> memref<128x128xf32, #tpu.memory_space<vmem_shared>>
      %dma_wait3A_154 = arith.constant 0 : i32
      %dma_wait3A_155 = tpu.memref_slice %arg5[%add3A_85, %dma_wait3A_154] : memref<10112x128xf32, #tpu.memory_space<vmem_shared>> -> memref<128x128xf32, #tpu.memory_space<vmem_shared>>
      %dma_wait3A_156 = arith.constant 0 : i32
      %dma_wait3A_157 = arith.constant 0 : i32
      %dma_wait3A_158 = tpu.memref_slice %arg8[%run_scoped3A_86, %dma_wait3A_156, %dma_wait3A_157] : memref<2x128x128xf32, #tpu.memory_space<vmem>> -> memref<1x128x128xf32, #tpu.memory_space<vmem>>
      %dma_wait3A_159 = tpu.memref_squeeze %dma_wait3A_158 : memref<1x128x128xf32, #tpu.memory_space<vmem>> -> memref<128x128xf32, #tpu.memory_space<vmem>>
      tpu.wait_dma2 semaphore(%run_scoped3A_135 : memref<!tpu.dma_semaphore, #tpu.memory_space<semaphore_mem>>) src(%dma_wait3A_159 : memref<128x128xf32, #tpu.memory_space<vmem>>) dst(%dma_wait3A_155 : memref<128x128xf32, #tpu.memory_space<vmem_shared>>)
      tpu.yield
    }) : () -> ()
    %mul3A_87 = arith.constant 632 : i32
    %mul3A_88 = arith.muli %arg1, %mul3A_87 : i32
    %add3A_89 = arith.constant 256 : i32
    %add3A_90 = arith.addi %mul3A_88, %add3A_89 : i32
    %run_scoped3A_91 = arith.constant 1 : i32
    "tpu.region"() ({
      %run_scoped3A_135 = tpu.sem_alloc : memref<!tpu.dma_semaphore, #tpu.memory_space<semaphore_mem>>
      %dma_start3A_136 = arith.constant 0 : i32
      %dma_start3A_137 = arith.constant 0 : i32
      %dma_start3A_138 = tpu.memref_slice %arg8[%run_scoped3A_91, %dma_start3A_136, %dma_start3A_137] : memref<2x128x128xf32, #tpu.memory_space<vmem>> -> memref<1x128x128xf32, #tpu.memory_space<vmem>>
      %dma_start3A_139 = tpu.memref_squeeze %dma_start3A_138 : memref<1x128x128xf32, #tpu.memory_space<vmem>> -> memref<128x128xf32, #tpu.memory_space<vmem>>
      %dma_start3A_140 = arith.constant 0 : i32
      %dma_start3A_141 = tpu.memref_slice %arg5[%add3A_90, %dma_start3A_140] : memref<10112x128xf32, #tpu.memory_space<vmem_shared>> -> memref<128x128xf32, #tpu.memory_space<vmem_shared>>
      %dma_start3A_142 = arith.constant 0 : i32
      %dma_start3A_143 = tpu.memref_slice %arg5[%add3A_90, %dma_start3A_142] : memref<10112x128xf32, #tpu.memory_space<vmem_shared>> -> memref<128x128xf32, #tpu.memory_space<vmem_shared>>
      %dma_start3A_144 = arith.constant 0 : i32
      %dma_start3A_145 = arith.constant 0 : i32
      %dma_start3A_146 = tpu.memref_slice %arg8[%run_scoped3A_91, %dma_start3A_144, %dma_start3A_145] : memref<2x128x128xf32, #tpu.memory_space<vmem>> -> memref<1x128x128xf32, #tpu.memory_space<vmem>>
      %dma_start3A_147 = tpu.memref_squeeze %dma_start3A_146 : memref<1x128x128xf32, #tpu.memory_space<vmem>> -> memref<128x128xf32, #tpu.memory_space<vmem>>
      tpu.enqueue_dma source(%dma_start3A_147 : memref<128x128xf32, #tpu.memory_space<vmem>>) target(%dma_start3A_143 : memref<128x128xf32, #tpu.memory_space<vmem_shared>>) target_semaphore(%run_scoped3A_135 : memref<!tpu.dma_semaphore, #tpu.memory_space<semaphore_mem>>)
      %dma_wait3A_148 = arith.constant 0 : i32
      %dma_wait3A_149 = arith.constant 0 : i32
      %dma_wait3A_150 = tpu.memref_slice %arg8[%run_scoped3A_91, %dma_wait3A_148, %dma_wait3A_149] : memref<2x128x128xf32, #tpu.memory_space<vmem>> -> memref<1x128x128xf32, #tpu.memory_space<vmem>>
      %dma_wait3A_151 = tpu.memref_squeeze %dma_wait3A_150 : memref<1x128x128xf32, #tpu.memory_space<vmem>> -> memref<128x128xf32, #tpu.memory_space<vmem>>
      %dma_wait3A_152 = arith.constant 0 : i32
      %dma_wait3A_153 = tpu.memref_slice %arg5[%add3A_90, %dma_wait3A_152] : memref<10112x128xf32, #tpu.memory_space<vmem_shared>> -> memref<128x128xf32, #tpu.memory_space<vmem_shared>>
      %dma_wait3A_154 = arith.constant 0 : i32
      %dma_wait3A_155 = tpu.memref_slice %arg5[%add3A_90, %dma_wait3A_154] : memref<10112x128xf32, #tpu.memory_space<vmem_shared>> -> memref<128x128xf32, #tpu.memory_space<vmem_shared>>
      %dma_wait3A_156 = arith.constant 0 : i32
      %dma_wait3A_157 = arith.constant 0 : i32
      %dma_wait3A_158 = tpu.memref_slice %arg8[%run_scoped3A_91, %dma_wait3A_156, %dma_wait3A_157] : memref<2x128x128xf32, #tpu.memory_space<vmem>> -> memref<1x128x128xf32, #tpu.memory_space<vmem>>
      %dma_wait3A_159 = tpu.memref_squeeze %dma_wait3A_158 : memref<1x128x128xf32, #tpu.memory_space<vmem>> -> memref<128x128xf32, #tpu.memory_space<vmem>>
      tpu.wait_dma2 semaphore(%run_scoped3A_135 : memref<!tpu.dma_semaphore, #tpu.memory_space<semaphore_mem>>) src(%dma_wait3A_159 : memref<128x128xf32, #tpu.memory_space<vmem>>) dst(%dma_wait3A_155 : memref<128x128xf32, #tpu.memory_space<vmem_shared>>)
      tpu.yield
    }) : () -> ()
    %mul3A_92 = arith.constant 632 : i32
    %mul3A_93 = arith.muli %arg1, %mul3A_92 : i32
    %add3A_94 = arith.constant 384 : i32
    %add3A_95 = arith.addi %mul3A_93, %add3A_94 : i32
    %run_scoped3A_96 = arith.constant 1 : i32
    "tpu.region"() ({
      %run_scoped3A_135 = tpu.sem_alloc : memref<!tpu.dma_semaphore, #tpu.memory_space<semaphore_mem>>
      %dma_start3A_136 = arith.constant 0 : i32
      %dma_start3A_137 = arith.constant 0 : i32
      %dma_start3A_138 = tpu.memref_slice %arg8[%run_scoped3A_96, %dma_start3A_136, %dma_start3A_137] : memref<2x128x128xf32, #tpu.memory_space<vmem>> -> memref<1x128x128xf32, #tpu.memory_space<vmem>>
      %dma_start3A_139 = tpu.memref_squeeze %dma_start3A_138 : memref<1x128x128xf32, #tpu.memory_space<vmem>> -> memref<128x128xf32, #tpu.memory_space<vmem>>
      %dma_start3A_140 = arith.constant 0 : i32
      %dma_start3A_141 = tpu.memref_slice %arg5[%add3A_95, %dma_start3A_140] : memref<10112x128xf32, #tpu.memory_space<vmem_shared>> -> memref<128x128xf32, #tpu.memory_space<vmem_shared>>
      %dma_start3A_142 = arith.constant 0 : i32
      %dma_start3A_143 = tpu.memref_slice %arg5[%add3A_95, %dma_start3A_142] : memref<10112x128xf32, #tpu.memory_space<vmem_shared>> -> memref<128x128xf32, #tpu.memory_space<vmem_shared>>
      %dma_start3A_144 = arith.constant 0 : i32
      %dma_start3A_145 = arith.constant 0 : i32
      %dma_start3A_146 = tpu.memref_slice %arg8[%run_scoped3A_96, %dma_start3A_144, %dma_start3A_145] : memref<2x128x128xf32, #tpu.memory_space<vmem>> -> memref<1x128x128xf32, #tpu.memory_space<vmem>>
      %dma_start3A_147 = tpu.memref_squeeze %dma_start3A_146 : memref<1x128x128xf32, #tpu.memory_space<vmem>> -> memref<128x128xf32, #tpu.memory_space<vmem>>
      tpu.enqueue_dma source(%dma_start3A_147 : memref<128x128xf32, #tpu.memory_space<vmem>>) target(%dma_start3A_143 : memref<128x128xf32, #tpu.memory_space<vmem_shared>>) target_semaphore(%run_scoped3A_135 : memref<!tpu.dma_semaphore, #tpu.memory_space<semaphore_mem>>)
      %dma_wait3A_148 = arith.constant 0 : i32
      %dma_wait3A_149 = arith.constant 0 : i32
      %dma_wait3A_150 = tpu.memref_slice %arg8[%run_scoped3A_96, %dma_wait3A_148, %dma_wait3A_149] : memref<2x128x128xf32, #tpu.memory_space<vmem>> -> memref<1x128x128xf32, #tpu.memory_space<vmem>>
      %dma_wait3A_151 = tpu.memref_squeeze %dma_wait3A_150 : memref<1x128x128xf32, #tpu.memory_space<vmem>> -> memref<128x128xf32, #tpu.memory_space<vmem>>
      %dma_wait3A_152 = arith.constant 0 : i32
      %dma_wait3A_153 = tpu.memref_slice %arg5[%add3A_95, %dma_wait3A_152] : memref<10112x128xf32, #tpu.memory_space<vmem_shared>> -> memref<128x128xf32, #tpu.memory_space<vmem_shared>>
      %dma_wait3A_154 = arith.constant 0 : i32
      %dma_wait3A_155 = tpu.memref_slice %arg5[%add3A_95, %dma_wait3A_154] : memref<10112x128xf32, #tpu.memory_space<vmem_shared>> -> memref<128x128xf32, #tpu.memory_space<vmem_shared>>
      %dma_wait3A_156 = arith.constant 0 : i32
      %dma_wait3A_157 = arith.constant 0 : i32
      %dma_wait3A_158 = tpu.memref_slice %arg8[%run_scoped3A_96, %dma_wait3A_156, %dma_wait3A_157] : memref<2x128x128xf32, #tpu.memory_space<vmem>> -> memref<1x128x128xf32, #tpu.memory_space<vmem>>
      %dma_wait3A_159 = tpu.memref_squeeze %dma_wait3A_158 : memref<1x128x128xf32, #tpu.memory_space<vmem>> -> memref<128x128xf32, #tpu.memory_space<vmem>>
      tpu.wait_dma2 semaphore(%run_scoped3A_135 : memref<!tpu.dma_semaphore, #tpu.memory_space<semaphore_mem>>) src(%dma_wait3A_159 : memref<128x128xf32, #tpu.memory_space<vmem>>) dst(%dma_wait3A_155 : memref<128x128xf32, #tpu.memory_space<vmem_shared>>)
      tpu.yield
    }) : () -> ()
    %mul3A_97 = arith.constant 632 : i32
    %mul3A_98 = arith.muli %arg1, %mul3A_97 : i32
    %add3A_99 = arith.constant 512 : i32
    %add3A_100 = arith.addi %mul3A_98, %add3A_99 : i32
    %run_scoped3A_101 = arith.constant 1 : i32
    "tpu.region"() ({
      %run_scoped3A_135 = tpu.sem_alloc : memref<!tpu.dma_semaphore, #tpu.memory_space<semaphore_mem>>
      %dma_start3A_136 = arith.constant 0 : i32
      %dma_start3A_137 = arith.constant 0 : i32
      %dma_start3A_138 = tpu.memref_slice %arg8[%run_scoped3A_101, %dma_start3A_136, %dma_start3A_137] : memref<2x128x128xf32, #tpu.memory_space<vmem>> -> memref<1x120x128xf32, #tpu.memory_space<vmem>>
      %dma_start3A_139 = tpu.memref_squeeze %dma_start3A_138 : memref<1x120x128xf32, #tpu.memory_space<vmem>> -> memref<120x128xf32, #tpu.memory_space<vmem>>
      %dma_start3A_140 = arith.constant 0 : i32
      %dma_start3A_141 = tpu.memref_slice %arg5[%add3A_100, %dma_start3A_140] : memref<10112x128xf32, #tpu.memory_space<vmem_shared>> -> memref<120x128xf32, #tpu.memory_space<vmem_shared>>
      %dma_start3A_142 = arith.constant 0 : i32
      %dma_start3A_143 = tpu.memref_slice %arg5[%add3A_100, %dma_start3A_142] : memref<10112x128xf32, #tpu.memory_space<vmem_shared>> -> memref<120x128xf32, #tpu.memory_space<vmem_shared>>
      %dma_start3A_144 = arith.constant 0 : i32
      %dma_start3A_145 = arith.constant 0 : i32
      %dma_start3A_146 = tpu.memref_slice %arg8[%run_scoped3A_101, %dma_start3A_144, %dma_start3A_145] : memref<2x128x128xf32, #tpu.memory_space<vmem>> -> memref<1x120x128xf32, #tpu.memory_space<vmem>>
      %dma_start3A_147 = tpu.memref_squeeze %dma_start3A_146 : memref<1x120x128xf32, #tpu.memory_space<vmem>> -> memref<120x128xf32, #tpu.memory_space<vmem>>
      tpu.enqueue_dma source(%dma_start3A_147 : memref<120x128xf32, #tpu.memory_space<vmem>>) target(%dma_start3A_143 : memref<120x128xf32, #tpu.memory_space<vmem_shared>>) target_semaphore(%run_scoped3A_135 : memref<!tpu.dma_semaphore, #tpu.memory_space<semaphore_mem>>)
      %dma_wait3A_148 = arith.constant 0 : i32
      %dma_wait3A_149 = arith.constant 0 : i32
      %dma_wait3A_150 = tpu.memref_slice %arg8[%run_scoped3A_101, %dma_wait3A_148, %dma_wait3A_149] : memref<2x128x128xf32, #tpu.memory_space<vmem>> -> memref<1x120x128xf32, #tpu.memory_space<vmem>>
      %dma_wait3A_151 = tpu.memref_squeeze %dma_wait3A_150 : memref<1x120x128xf32, #tpu.memory_space<vmem>> -> memref<120x128xf32, #tpu.memory_space<vmem>>
      %dma_wait3A_152 = arith.constant 0 : i32
      %dma_wait3A_153 = tpu.memref_slice %arg5[%add3A_100, %dma_wait3A_152] : memref<10112x128xf32, #tpu.memory_space<vmem_shared>> -> memref<120x128xf32, #tpu.memory_space<vmem_shared>>
      %dma_wait3A_154 = arith.constant 0 : i32
      %dma_wait3A_155 = tpu.memref_slice %arg5[%add3A_100, %dma_wait3A_154] : memref<10112x128xf32, #tpu.memory_space<vmem_shared>> -> memref<120x128xf32, #tpu.memory_space<vmem_shared>>
      %dma_wait3A_156 = arith.constant 0 : i32
      %dma_wait3A_157 = arith.constant 0 : i32
      %dma_wait3A_158 = tpu.memref_slice %arg8[%run_scoped3A_101, %dma_wait3A_156, %dma_wait3A_157] : memref<2x128x128xf32, #tpu.memory_space<vmem>> -> memref<1x120x128xf32, #tpu.memory_space<vmem>>
      %dma_wait3A_159 = tpu.memref_squeeze %dma_wait3A_158 : memref<1x120x128xf32, #tpu.memory_space<vmem>> -> memref<120x128xf32, #tpu.memory_space<vmem>>
      tpu.wait_dma2 semaphore(%run_scoped3A_135 : memref<!tpu.dma_semaphore, #tpu.memory_space<semaphore_mem>>) src(%dma_wait3A_159 : memref<120x128xf32, #tpu.memory_space<vmem>>) dst(%dma_wait3A_155 : memref<120x128xf32, #tpu.memory_space<vmem_shared>>)
      tpu.yield
    }) : () -> ()
    %barrier3A = arith.constant 0 : index
    tpu.barrier barrier_id(%barrier3A)
    %while3A = arith.constant 0 : i32
    %while3A_102 = arith.constant 0 : i32
    %while3A_103 = arith.subi %select_n3A, %while3A : i32
    %while3A_104 = arith.addi %while3A, %while3A_103 : i32
    %while3A_105 = arith.constant 1 : i32
    %while3A_106 = arith.divsi %while3A_103, %while3A_105 : i32
    %while3A_107 = arith.muli %while3A_106, %while3A_105 : i32
    %while3A_108 = arith.addi %while3A, %while3A_107 : i32
    %while3A_109 = arith.constant 1 : i32
    %while3A_110 = scf.for %while3A_135 = %while3A to %while3A_108 step %while3A_109 iter_args(%while3A_136 = %while3A_102) -> (i32)  : i32 {
      %rem3A_137 = arith.constant 2 : i32
      %rem3A_138 = arith.remsi %while3A_135, %rem3A_137 : i32
      %add3A_139 = arith.constant 1 : i32
      %add3A_140 = arith.addi %while3A_135, %add3A_139 : i32
      %rem3A_141 = arith.constant 2 : i32
      %rem3A_142 = arith.remsi %add3A_140, %rem3A_141 : i32
      %rem3A_143 = arith.constant 3 : i32
      %rem3A_144 = arith.remsi %while3A_135, %rem3A_143 : i32
      %add3A_145 = arith.constant 2 : i32
      %add3A_146 = arith.addi %while3A_135, %add3A_145 : i32
      %rem3A_147 = arith.constant 3 : i32
      %rem3A_148 = arith.remsi %add3A_146, %rem3A_147 : i32
      %ge3A = arith.constant 1 : i32
      %ge3A_149 = arith.cmpi sge, %while3A_135, %ge3A : i32
      %convert_element_type3A = arith.extui %ge3A_149 : i1 to i32
      %cond3A = arith.constant 0 : i32
      %cond3A_150 = arith.cmpi ne, %convert_element_type3A, %cond3A : i32
      scf.if %cond3A_150 {
        %sub3A_199 = arith.constant 1 : i32
        %sub3A_200 = arith.subi %while3A_135, %sub3A_199 : i32
        %rem3A_201 = arith.constant 3 : i32
        %rem3A_202 = arith.remsi %sub3A_200, %rem3A_201 : i32
        %dma_wait3A_203 = arith.constant 0 : i32
        %dma_wait3A_204 = arith.constant 0 : i32
        %dma_wait3A_205 = tpu.memref_slice %arg8[%rem3A_142, %dma_wait3A_203, %dma_wait3A_204] : memref<2x128x128xf32, #tpu.memory_space<vmem>> -> memref<1x128x128xf32, #tpu.memory_space<vmem>>
        %dma_wait3A_206 = tpu.memref_squeeze %dma_wait3A_205 : memref<1x128x128xf32, #tpu.memory_space<vmem>> -> memref<128x128xf32, #tpu.memory_space<vmem>>
        %dma_wait3A_207 = arith.constant 0 : i32
        %dma_wait3A_208 = tpu.memref_slice %arg7[%rem3A_202, %dma_wait3A_207] : memref<3x128xi32, #tpu.memory_space<vmem>> -> memref<1x128xi32, #tpu.memory_space<vmem>>
        %dma_wait3A_209 = tpu.memref_squeeze %dma_wait3A_208 : memref<1x128xi32, #tpu.memory_space<vmem>> -> memref<128xi32, #tpu.memory_space<vmem>>
        %dma_wait3A_210 = arith.constant 0 : i32
        %dma_wait3A_211 = arith.constant 0 : i32
        %dma_wait3A_212 = tpu.memref_slice %arg5[%dma_wait3A_210, %dma_wait3A_211] : memref<10112x128xf32, #tpu.memory_space<vmem_shared>> -> memref<10112x128xf32, #tpu.memory_space<vmem_shared>>
        %dma_wait3A_213 = tpu.memref_slice %arg12[%rem3A_142] : memref<2x!tpu.dma_semaphore, #tpu.memory_space<semaphore_mem>> -> memref<1x!tpu.dma_semaphore, #tpu.memory_space<semaphore_mem>>
        %dma_wait3A_214 = tpu.memref_squeeze %dma_wait3A_213 : memref<1x!tpu.dma_semaphore, #tpu.memory_space<semaphore_mem>> -> memref<!tpu.dma_semaphore, #tpu.memory_space<semaphore_mem>>
        tpu.wait_indirect_dma semaphore(%dma_wait3A_214 : memref<!tpu.dma_semaphore, #tpu.memory_space<semaphore_mem>>) src(%dma_wait3A_206 : memref<128x128xf32, #tpu.memory_space<vmem>>) dst(%dma_wait3A_212 : memref<10112x128xf32, #tpu.memory_space<vmem_shared>>)
      } else {
      }
      %add3A_151 = arith.constant 1 : i32
      %add3A_152 = arith.addi %while3A_135, %add3A_151 : i32
      %lt3A_153 = arith.cmpi slt, %add3A_152, %select_n3A : i32
      %convert_element_type3A_154 = arith.extui %lt3A_153 : i1 to i32
      %cond3A_155 = arith.constant 0 : i32
      %cond3A_156 = arith.cmpi ne, %convert_element_type3A_154, %cond3A_155 : i32
      scf.if %cond3A_156 {
        %add3A_199 = arith.constant 1 : i32
        %add3A_200 = arith.addi %while3A_135, %add3A_199 : i32
        %add3A_201 = arith.addi %add3A_4, %add3A_200 : i32
        %mul3A_202 = arith.constant 128 : i32
        %mul3A_203 = arith.muli %add3A_201, %mul3A_202 : i32
        %dma_wait3A_204 = arith.constant 0 : i32
        %dma_wait3A_205 = arith.constant 0 : i32
        %dma_wait3A_206 = tpu.memref_slice %arg6[%rem3A_142, %dma_wait3A_205] : memref<2x128xi32, #tpu.memory_space<vmem>> -> memref<1x128xi32, #tpu.memory_space<vmem>>
        %dma_wait3A_207 = tpu.memref_squeeze %dma_wait3A_206 : memref<1x128xi32, #tpu.memory_space<vmem>> -> memref<128xi32, #tpu.memory_space<vmem>>
        %dma_wait3A_208 = tpu.memref_slice %arg3[%dma_wait3A_204, %mul3A_203] : memref<2x320000xi32, #tpu.memory_space<hbm>> -> memref<1x128xi32, #tpu.memory_space<hbm>>
        %dma_wait3A_209 = tpu.memref_squeeze %dma_wait3A_208 : memref<1x128xi32, #tpu.memory_space<hbm>> -> memref<128xi32, #tpu.memory_space<hbm>>
        %dma_wait3A_210 = tpu.memref_slice %arg10[%rem3A_142] : memref<2x!tpu.dma_semaphore, #tpu.memory_space<semaphore_mem>> -> memref<1x!tpu.dma_semaphore, #tpu.memory_space<semaphore_mem>>
        %dma_wait3A_211 = tpu.memref_squeeze %dma_wait3A_210 : memref<1x!tpu.dma_semaphore, #tpu.memory_space<semaphore_mem>> -> memref<!tpu.dma_semaphore, #tpu.memory_space<semaphore_mem>>
        %dma_wait3A_212 = arith.constant 0 : i32
        %dma_wait3A_213 = tpu.memref_slice %arg6[%rem3A_142, %dma_wait3A_212] : memref<2x128xi32, #tpu.memory_space<vmem>> -> memref<1x128xi32, #tpu.memory_space<vmem>>
        %dma_wait3A_214 = tpu.memref_squeeze %dma_wait3A_213 : memref<1x128xi32, #tpu.memory_space<vmem>> -> memref<128xi32, #tpu.memory_space<vmem>>
        %dma_wait3A_215 = tpu.memref_slice %arg3[%dma_wait3A_204, %mul3A_203] : memref<2x320000xi32, #tpu.memory_space<hbm>> -> memref<1x128xi32, #tpu.memory_space<hbm>>
        %dma_wait3A_216 = tpu.memref_squeeze %dma_wait3A_215 : memref<1x128xi32, #tpu.memory_space<hbm>> -> memref<128xi32, #tpu.memory_space<hbm>>
        tpu.wait_dma2 semaphore(%dma_wait3A_211 : memref<!tpu.dma_semaphore, #tpu.memory_space<semaphore_mem>>) src(%dma_wait3A_216 : memref<128xi32, #tpu.memory_space<hbm>>) dst(%dma_wait3A_214 : memref<128xi32, #tpu.memory_space<vmem>>)
        %dma_start3A_217 = arith.constant 0 : i32
        %dma_start3A_218 = arith.constant 0 : i32
        %dma_start3A_219 = tpu.memref_slice %arg8[%rem3A_142, %dma_start3A_217, %dma_start3A_218] : memref<2x128x128xf32, #tpu.memory_space<vmem>> -> memref<1x128x128xf32, #tpu.memory_space<vmem>>
        %dma_start3A_220 = tpu.memref_squeeze %dma_start3A_219 : memref<1x128x128xf32, #tpu.memory_space<vmem>> -> memref<128x128xf32, #tpu.memory_space<vmem>>
        %dma_start3A_221 = arith.constant 0 : i32
        %dma_start3A_222 = tpu.memref_slice %arg6[%rem3A_142, %dma_start3A_221] : memref<2x128xi32, #tpu.memory_space<vmem>> -> memref<1x128xi32, #tpu.memory_space<vmem>>
        %dma_start3A_223 = tpu.memref_squeeze %dma_start3A_222 : memref<1x128xi32, #tpu.memory_space<vmem>> -> memref<128xi32, #tpu.memory_space<vmem>>
        %dma_start3A_224 = arith.constant 0 : i32
        %dma_start3A_225 = arith.constant 0 : i32
        %dma_start3A_226 = tpu.memref_slice %arg2[%dma_start3A_224, %dma_start3A_225] : memref<10112x128xf32, #tpu.memory_space<hbm>> -> memref<10112x128xf32, #tpu.memory_space<hbm>>
        %dma_start3A_227 = tpu.memref_slice %arg9[%rem3A_142] : memref<2x!tpu.dma_semaphore, #tpu.memory_space<semaphore_mem>> -> memref<1x!tpu.dma_semaphore, #tpu.memory_space<semaphore_mem>>
        %dma_start3A_228 = tpu.memref_squeeze %dma_start3A_227 : memref<1x!tpu.dma_semaphore, #tpu.memory_space<semaphore_mem>> -> memref<!tpu.dma_semaphore, #tpu.memory_space<semaphore_mem>>
        tpu.enqueue_indirect_dma source(%dma_start3A_226 : memref<10112x128xf32, #tpu.memory_space<hbm>>) target(%dma_start3A_220 : memref<128x128xf32, #tpu.memory_space<vmem>>) offsets(%dma_start3A_223 : memref<128xi32, #tpu.memory_space<vmem>>) semaphore(%dma_start3A_228 : memref<!tpu.dma_semaphore, #tpu.memory_space<semaphore_mem>>)
      } else {
      }
      %dma_wait3A_157 = arith.constant 0 : i32
      %dma_wait3A_158 = arith.constant 0 : i32
      %dma_wait3A_159 = tpu.memref_slice %arg8[%rem3A_138, %dma_wait3A_157, %dma_wait3A_158] : memref<2x128x128xf32, #tpu.memory_space<vmem>> -> memref<1x128x128xf32, #tpu.memory_space<vmem>>
      %dma_wait3A_160 = tpu.memref_squeeze %dma_wait3A_159 : memref<1x128x128xf32, #tpu.memory_space<vmem>> -> memref<128x128xf32, #tpu.memory_space<vmem>>
      %dma_wait3A_161 = arith.constant 0 : i32
      %dma_wait3A_162 = tpu.memref_slice %arg6[%rem3A_138, %dma_wait3A_161] : memref<2x128xi32, #tpu.memory_space<vmem>> -> memref<1x128xi32, #tpu.memory_space<vmem>>
      %dma_wait3A_163 = tpu.memref_squeeze %dma_wait3A_162 : memref<1x128xi32, #tpu.memory_space<vmem>> -> memref<128xi32, #tpu.memory_space<vmem>>
      %dma_wait3A_164 = arith.constant 0 : i32
      %dma_wait3A_165 = arith.constant 0 : i32
      %dma_wait3A_166 = tpu.memref_slice %arg2[%dma_wait3A_164, %dma_wait3A_165] : memref<10112x128xf32, #tpu.memory_space<hbm>> -> memref<10112x128xf32, #tpu.memory_space<hbm>>
      %dma_wait3A_167 = tpu.memref_slice %arg9[%rem3A_138] : memref<2x!tpu.dma_semaphore, #tpu.memory_space<semaphore_mem>> -> memref<1x!tpu.dma_semaphore, #tpu.memory_space<semaphore_mem>>
      %dma_wait3A_168 = tpu.memref_squeeze %dma_wait3A_167 : memref<1x!tpu.dma_semaphore, #tpu.memory_space<semaphore_mem>> -> memref<!tpu.dma_semaphore, #tpu.memory_space<semaphore_mem>>
      tpu.wait_indirect_dma semaphore(%dma_wait3A_168 : memref<!tpu.dma_semaphore, #tpu.memory_space<semaphore_mem>>) src(%dma_wait3A_166 : memref<10112x128xf32, #tpu.memory_space<hbm>>) dst(%dma_wait3A_160 : memref<128x128xf32, #tpu.memory_space<vmem>>)
      %add3A_169 = arith.constant 2 : i32
      %add3A_170 = arith.addi %while3A_135, %add3A_169 : i32
      %lt3A_171 = arith.cmpi slt, %add3A_170, %select_n3A : i32
      %convert_element_type3A_172 = arith.extui %lt3A_171 : i1 to i32
      %cond3A_173 = arith.constant 0 : i32
      %cond3A_174 = arith.cmpi ne, %convert_element_type3A_172, %cond3A_173 : i32
      scf.if %cond3A_174 {
        %add3A_199 = arith.constant 2 : i32
        %add3A_200 = arith.addi %while3A_135, %add3A_199 : i32
        %add3A_201 = arith.addi %add3A_4, %add3A_200 : i32
        %mul3A_202 = arith.constant 128 : i32
        %mul3A_203 = arith.muli %add3A_201, %mul3A_202 : i32
        %dma_start3A_204 = arith.constant 0 : i32
        %dma_start3A_205 = arith.constant 0 : i32
        %dma_start3A_206 = tpu.memref_slice %arg6[%rem3A_138, %dma_start3A_205] : memref<2x128xi32, #tpu.memory_space<vmem>> -> memref<1x128xi32, #tpu.memory_space<vmem>>
        %dma_start3A_207 = tpu.memref_squeeze %dma_start3A_206 : memref<1x128xi32, #tpu.memory_space<vmem>> -> memref<128xi32, #tpu.memory_space<vmem>>
        %dma_start3A_208 = tpu.memref_slice %arg3[%dma_start3A_204, %mul3A_203] : memref<2x320000xi32, #tpu.memory_space<hbm>> -> memref<1x128xi32, #tpu.memory_space<hbm>>
        %dma_start3A_209 = tpu.memref_squeeze %dma_start3A_208 : memref<1x128xi32, #tpu.memory_space<hbm>> -> memref<128xi32, #tpu.memory_space<hbm>>
        %dma_start3A_210 = tpu.memref_slice %arg10[%rem3A_138] : memref<2x!tpu.dma_semaphore, #tpu.memory_space<semaphore_mem>> -> memref<1x!tpu.dma_semaphore, #tpu.memory_space<semaphore_mem>>
        %dma_start3A_211 = tpu.memref_squeeze %dma_start3A_210 : memref<1x!tpu.dma_semaphore, #tpu.memory_space<semaphore_mem>> -> memref<!tpu.dma_semaphore, #tpu.memory_space<semaphore_mem>>
        %dma_start3A_212 = arith.constant 0 : i32
        %dma_start3A_213 = tpu.memref_slice %arg6[%rem3A_138, %dma_start3A_212] : memref<2x128xi32, #tpu.memory_space<vmem>> -> memref<1x128xi32, #tpu.memory_space<vmem>>
        %dma_start3A_214 = tpu.memref_squeeze %dma_start3A_213 : memref<1x128xi32, #tpu.memory_space<vmem>> -> memref<128xi32, #tpu.memory_space<vmem>>
        %dma_start3A_215 = tpu.memref_slice %arg3[%dma_start3A_204, %mul3A_203] : memref<2x320000xi32, #tpu.memory_space<hbm>> -> memref<1x128xi32, #tpu.memory_space<hbm>>
        %dma_start3A_216 = tpu.memref_squeeze %dma_start3A_215 : memref<1x128xi32, #tpu.memory_space<hbm>> -> memref<128xi32, #tpu.memory_space<hbm>>
        tpu.enqueue_dma source(%dma_start3A_216 : memref<128xi32, #tpu.memory_space<hbm>>) target(%dma_start3A_214 : memref<128xi32, #tpu.memory_space<vmem>>) target_semaphore(%dma_start3A_211 : memref<!tpu.dma_semaphore, #tpu.memory_space<semaphore_mem>>)
      } else {
      }
      %ge3A_175 = arith.constant 1 : i32
      %ge3A_176 = arith.cmpi sge, %while3A_135, %ge3A_175 : i32
      %convert_element_type3A_177 = arith.extui %ge3A_176 : i1 to i32
      %cond3A_178 = arith.constant 0 : i32
      %cond3A_179 = arith.cmpi ne, %convert_element_type3A_177, %cond3A_178 : i32
      scf.if %cond3A_179 {
        %add3A_199 = arith.addi %add3A_4, %while3A_135 : i32
        %mul3A_200 = arith.constant 128 : i32
        %mul3A_201 = arith.muli %add3A_199, %mul3A_200 : i32
        %dma_wait3A_202 = arith.constant 1 : i32
        %dma_wait3A_203 = arith.constant 0 : i32
        %dma_wait3A_204 = tpu.memref_slice %arg7[%rem3A_144, %dma_wait3A_203] : memref<3x128xi32, #tpu.memory_space<vmem>> -> memref<1x128xi32, #tpu.memory_space<vmem>>
        %dma_wait3A_205 = tpu.memref_squeeze %dma_wait3A_204 : memref<1x128xi32, #tpu.memory_space<vmem>> -> memref<128xi32, #tpu.memory_space<vmem>>
        %dma_wait3A_206 = tpu.memref_slice %arg3[%dma_wait3A_202, %mul3A_201] : memref<2x320000xi32, #tpu.memory_space<hbm>> -> memref<1x128xi32, #tpu.memory_space<hbm>>
        %dma_wait3A_207 = tpu.memref_squeeze %dma_wait3A_206 : memref<1x128xi32, #tpu.memory_space<hbm>> -> memref<128xi32, #tpu.memory_space<hbm>>
        %dma_wait3A_208 = tpu.memref_slice %arg11[%rem3A_144] : memref<3x!tpu.dma_semaphore, #tpu.memory_space<semaphore_mem>> -> memref<1x!tpu.dma_semaphore, #tpu.memory_space<semaphore_mem>>
        %dma_wait3A_209 = tpu.memref_squeeze %dma_wait3A_208 : memref<1x!tpu.dma_semaphore, #tpu.memory_space<semaphore_mem>> -> memref<!tpu.dma_semaphore, #tpu.memory_space<semaphore_mem>>
        %dma_wait3A_210 = arith.constant 0 : i32
        %dma_wait3A_211 = tpu.memref_slice %arg7[%rem3A_144, %dma_wait3A_210] : memref<3x128xi32, #tpu.memory_space<vmem>> -> memref<1x128xi32, #tpu.memory_space<vmem>>
        %dma_wait3A_212 = tpu.memref_squeeze %dma_wait3A_211 : memref<1x128xi32, #tpu.memory_space<vmem>> -> memref<128xi32, #tpu.memory_space<vmem>>
        %dma_wait3A_213 = tpu.memref_slice %arg3[%dma_wait3A_202, %mul3A_201] : memref<2x320000xi32, #tpu.memory_space<hbm>> -> memref<1x128xi32, #tpu.memory_space<hbm>>
        %dma_wait3A_214 = tpu.memref_squeeze %dma_wait3A_213 : memref<1x128xi32, #tpu.memory_space<hbm>> -> memref<128xi32, #tpu.memory_space<hbm>>
        tpu.wait_dma2 semaphore(%dma_wait3A_209 : memref<!tpu.dma_semaphore, #tpu.memory_space<semaphore_mem>>) src(%dma_wait3A_214 : memref<128xi32, #tpu.memory_space<hbm>>) dst(%dma_wait3A_212 : memref<128xi32, #tpu.memory_space<vmem>>)
      } else {
      }
      %dma_start3A_180 = arith.constant 0 : i32
      %dma_start3A_181 = arith.constant 0 : i32
      %dma_start3A_182 = tpu.memref_slice %arg8[%rem3A_138, %dma_start3A_180, %dma_start3A_181] : memref<2x128x128xf32, #tpu.memory_space<vmem>> -> memref<1x128x128xf32, #tpu.memory_space<vmem>>
      %dma_start3A_183 = tpu.memref_squeeze %dma_start3A_182 : memref<1x128x128xf32, #tpu.memory_space<vmem>> -> memref<128x128xf32, #tpu.memory_space<vmem>>
      %dma_start3A_184 = arith.constant 0 : i32
      %dma_start3A_185 = tpu.memref_slice %arg7[%rem3A_144, %dma_start3A_184] : memref<3x128xi32, #tpu.memory_space<vmem>> -> memref<1x128xi32, #tpu.memory_space<vmem>>
      %dma_start3A_186 = tpu.memref_squeeze %dma_start3A_185 : memref<1x128xi32, #tpu.memory_space<vmem>> -> memref<128xi32, #tpu.memory_space<vmem>>
      %dma_start3A_187 = arith.constant 0 : i32
      %dma_start3A_188 = arith.constant 0 : i32
      %dma_start3A_189 = tpu.memref_slice %arg5[%dma_start3A_187, %dma_start3A_188] : memref<10112x128xf32, #tpu.memory_space<vmem_shared>> -> memref<10112x128xf32, #tpu.memory_space<vmem_shared>>
      %dma_start3A_190 = tpu.memref_slice %arg12[%rem3A_138] : memref<2x!tpu.dma_semaphore, #tpu.memory_space<semaphore_mem>> -> memref<1x!tpu.dma_semaphore, #tpu.memory_space<semaphore_mem>>
      %dma_start3A_191 = tpu.memref_squeeze %dma_start3A_190 : memref<1x!tpu.dma_semaphore, #tpu.memory_space<semaphore_mem>> -> memref<!tpu.dma_semaphore, #tpu.memory_space<semaphore_mem>>
      tpu.enqueue_indirect_dma source(%dma_start3A_183 : memref<128x128xf32, #tpu.memory_space<vmem>>) target(%dma_start3A_189 : memref<10112x128xf32, #tpu.memory_space<vmem_shared>>) offsets(%dma_start3A_186 : memref<128xi32, #tpu.memory_space<vmem>>) semaphore(%dma_start3A_191 : memref<!tpu.dma_semaphore, #tpu.memory_space<semaphore_mem>>) {add = true}
      %add3A_192 = arith.constant 2 : i32
      %add3A_193 = arith.addi %while3A_135, %add3A_192 : i32
      %lt3A_194 = arith.cmpi slt, %add3A_193, %select_n3A : i32
      %convert_element_type3A_195 = arith.extui %lt3A_194 : i1 to i32
      %cond3A_196 = arith.constant 0 : i32
      %cond3A_197 = arith.cmpi ne, %convert_element_type3A_195, %cond3A_196 : i32
      scf.if %cond3A_197 {
        %add3A_199 = arith.constant 2 : i32
        %add3A_200 = arith.addi %while3A_135, %add3A_199 : i32
        %add3A_201 = arith.addi %add3A_4, %add3A_200 : i32
        %mul3A_202 = arith.constant 128 : i32
        %mul3A_203 = arith.muli %add3A_201, %mul3A_202 : i32
        %dma_start3A_204 = arith.constant 1 : i32
        %dma_start3A_205 = arith.constant 0 : i32
        %dma_start3A_206 = tpu.memref_slice %arg7[%rem3A_148, %dma_start3A_205] : memref<3x128xi32, #tpu.memory_space<vmem>> -> memref<1x128xi32, #tpu.memory_space<vmem>>
        %dma_start3A_207 = tpu.memref_squeeze %dma_start3A_206 : memref<1x128xi32, #tpu.memory_space<vmem>> -> memref<128xi32, #tpu.memory_space<vmem>>
        %dma_start3A_208 = tpu.memref_slice %arg3[%dma_start3A_204, %mul3A_203] : memref<2x320000xi32, #tpu.memory_space<hbm>> -> memref<1x128xi32, #tpu.memory_space<hbm>>
        %dma_start3A_209 = tpu.memref_squeeze %dma_start3A_208 : memref<1x128xi32, #tpu.memory_space<hbm>> -> memref<128xi32, #tpu.memory_space<hbm>>
        %dma_start3A_210 = tpu.memref_slice %arg11[%rem3A_148] : memref<3x!tpu.dma_semaphore, #tpu.memory_space<semaphore_mem>> -> memref<1x!tpu.dma_semaphore, #tpu.memory_space<semaphore_mem>>
        %dma_start3A_211 = tpu.memref_squeeze %dma_start3A_210 : memref<1x!tpu.dma_semaphore, #tpu.memory_space<semaphore_mem>> -> memref<!tpu.dma_semaphore, #tpu.memory_space<semaphore_mem>>
        %dma_start3A_212 = arith.constant 0 : i32
        %dma_start3A_213 = tpu.memref_slice %arg7[%rem3A_148, %dma_start3A_212] : memref<3x128xi32, #tpu.memory_space<vmem>> -> memref<1x128xi32, #tpu.memory_space<vmem>>
        %dma_start3A_214 = tpu.memref_squeeze %dma_start3A_213 : memref<1x128xi32, #tpu.memory_space<vmem>> -> memref<128xi32, #tpu.memory_space<vmem>>
        %dma_start3A_215 = tpu.memref_slice %arg3[%dma_start3A_204, %mul3A_203] : memref<2x320000xi32, #tpu.memory_space<hbm>> -> memref<1x128xi32, #tpu.memory_space<hbm>>
        %dma_start3A_216 = tpu.memref_squeeze %dma_start3A_215 : memref<1x128xi32, #tpu.memory_space<hbm>> -> memref<128xi32, #tpu.memory_space<hbm>>
        tpu.enqueue_dma source(%dma_start3A_216 : memref<128xi32, #tpu.memory_space<hbm>>) target(%dma_start3A_214 : memref<128xi32, #tpu.memory_space<vmem>>) target_semaphore(%dma_start3A_211 : memref<!tpu.dma_semaphore, #tpu.memory_space<semaphore_mem>>)
      } else {
      }
      %while3A_198 = arith.constant 0 : i32
      scf.yield %while3A_198 : i32
    }
    %while3A_111 = arith.constant 1 : i32
    %while3A_112 = scf.for %while3A_135 = %while3A_108 to %while3A_104 step %while3A_111 iter_args(%while3A_136 = %while3A_110) -> (i32)  : i32 {
      %rem3A_137 = arith.constant 2 : i32
      %rem3A_138 = arith.remsi %while3A_135, %rem3A_137 : i32
      %add3A_139 = arith.constant 1 : i32
      %add3A_140 = arith.addi %while3A_135, %add3A_139 : i32
      %rem3A_141 = arith.constant 2 : i32
      %rem3A_142 = arith.remsi %add3A_140, %rem3A_141 : i32
      %rem3A_143 = arith.constant 3 : i32
      %rem3A_144 = arith.remsi %while3A_135, %rem3A_143 : i32
      %add3A_145 = arith.constant 2 : i32
      %add3A_146 = arith.addi %while3A_135, %add3A_145 : i32
      %rem3A_147 = arith.constant 3 : i32
      %rem3A_148 = arith.remsi %add3A_146, %rem3A_147 : i32
      %ge3A = arith.constant 1 : i32
      %ge3A_149 = arith.cmpi sge, %while3A_135, %ge3A : i32
      %convert_element_type3A = arith.extui %ge3A_149 : i1 to i32
      %cond3A = arith.constant 0 : i32
      %cond3A_150 = arith.cmpi ne, %convert_element_type3A, %cond3A : i32
      scf.if %cond3A_150 {
        %sub3A_199 = arith.constant 1 : i32
        %sub3A_200 = arith.subi %while3A_135, %sub3A_199 : i32
        %rem3A_201 = arith.constant 3 : i32
        %rem3A_202 = arith.remsi %sub3A_200, %rem3A_201 : i32
        %dma_wait3A_203 = arith.constant 0 : i32
        %dma_wait3A_204 = arith.constant 0 : i32
        %dma_wait3A_205 = tpu.memref_slice %arg8[%rem3A_142, %dma_wait3A_203, %dma_wait3A_204] : memref<2x128x128xf32, #tpu.memory_space<vmem>> -> memref<1x128x128xf32, #tpu.memory_space<vmem>>
        %dma_wait3A_206 = tpu.memref_squeeze %dma_wait3A_205 : memref<1x128x128xf32, #tpu.memory_space<vmem>> -> memref<128x128xf32, #tpu.memory_space<vmem>>
        %dma_wait3A_207 = arith.constant 0 : i32
        %dma_wait3A_208 = tpu.memref_slice %arg7[%rem3A_202, %dma_wait3A_207] : memref<3x128xi32, #tpu.memory_space<vmem>> -> memref<1x128xi32, #tpu.memory_space<vmem>>
        %dma_wait3A_209 = tpu.memref_squeeze %dma_wait3A_208 : memref<1x128xi32, #tpu.memory_space<vmem>> -> memref<128xi32, #tpu.memory_space<vmem>>
        %dma_wait3A_210 = arith.constant 0 : i32
        %dma_wait3A_211 = arith.constant 0 : i32
        %dma_wait3A_212 = tpu.memref_slice %arg5[%dma_wait3A_210, %dma_wait3A_211] : memref<10112x128xf32, #tpu.memory_space<vmem_shared>> -> memref<10112x128xf32, #tpu.memory_space<vmem_shared>>
        %dma_wait3A_213 = tpu.memref_slice %arg12[%rem3A_142] : memref<2x!tpu.dma_semaphore, #tpu.memory_space<semaphore_mem>> -> memref<1x!tpu.dma_semaphore, #tpu.memory_space<semaphore_mem>>
        %dma_wait3A_214 = tpu.memref_squeeze %dma_wait3A_213 : memref<1x!tpu.dma_semaphore, #tpu.memory_space<semaphore_mem>> -> memref<!tpu.dma_semaphore, #tpu.memory_space<semaphore_mem>>
        tpu.wait_indirect_dma semaphore(%dma_wait3A_214 : memref<!tpu.dma_semaphore, #tpu.memory_space<semaphore_mem>>) src(%dma_wait3A_206 : memref<128x128xf32, #tpu.memory_space<vmem>>) dst(%dma_wait3A_212 : memref<10112x128xf32, #tpu.memory_space<vmem_shared>>)
      } else {
      }
      %add3A_151 = arith.constant 1 : i32
      %add3A_152 = arith.addi %while3A_135, %add3A_151 : i32
      %lt3A_153 = arith.cmpi slt, %add3A_152, %select_n3A : i32
      %convert_element_type3A_154 = arith.extui %lt3A_153 : i1 to i32
      %cond3A_155 = arith.constant 0 : i32
      %cond3A_156 = arith.cmpi ne, %convert_element_type3A_154, %cond3A_155 : i32
      scf.if %cond3A_156 {
        %add3A_199 = arith.constant 1 : i32
        %add3A_200 = arith.addi %while3A_135, %add3A_199 : i32
        %add3A_201 = arith.addi %add3A_4, %add3A_200 : i32
        %mul3A_202 = arith.constant 128 : i32
        %mul3A_203 = arith.muli %add3A_201, %mul3A_202 : i32
        %dma_wait3A_204 = arith.constant 0 : i32
        %dma_wait3A_205 = arith.constant 0 : i32
        %dma_wait3A_206 = tpu.memref_slice %arg6[%rem3A_142, %dma_wait3A_205] : memref<2x128xi32, #tpu.memory_space<vmem>> -> memref<1x128xi32, #tpu.memory_space<vmem>>
        %dma_wait3A_207 = tpu.memref_squeeze %dma_wait3A_206 : memref<1x128xi32, #tpu.memory_space<vmem>> -> memref<128xi32, #tpu.memory_space<vmem>>
        %dma_wait3A_208 = tpu.memref_slice %arg3[%dma_wait3A_204, %mul3A_203] : memref<2x320000xi32, #tpu.memory_space<hbm>> -> memref<1x128xi32, #tpu.memory_space<hbm>>
        %dma_wait3A_209 = tpu.memref_squeeze %dma_wait3A_208 : memref<1x128xi32, #tpu.memory_space<hbm>> -> memref<128xi32, #tpu.memory_space<hbm>>
        %dma_wait3A_210 = tpu.memref_slice %arg10[%rem3A_142] : memref<2x!tpu.dma_semaphore, #tpu.memory_space<semaphore_mem>> -> memref<1x!tpu.dma_semaphore, #tpu.memory_space<semaphore_mem>>
        %dma_wait3A_211 = tpu.memref_squeeze %dma_wait3A_210 : memref<1x!tpu.dma_semaphore, #tpu.memory_space<semaphore_mem>> -> memref<!tpu.dma_semaphore, #tpu.memory_space<semaphore_mem>>
        %dma_wait3A_212 = arith.constant 0 : i32
        %dma_wait3A_213 = tpu.memref_slice %arg6[%rem3A_142, %dma_wait3A_212] : memref<2x128xi32, #tpu.memory_space<vmem>> -> memref<1x128xi32, #tpu.memory_space<vmem>>
        %dma_wait3A_214 = tpu.memref_squeeze %dma_wait3A_213 : memref<1x128xi32, #tpu.memory_space<vmem>> -> memref<128xi32, #tpu.memory_space<vmem>>
        %dma_wait3A_215 = tpu.memref_slice %arg3[%dma_wait3A_204, %mul3A_203] : memref<2x320000xi32, #tpu.memory_space<hbm>> -> memref<1x128xi32, #tpu.memory_space<hbm>>
        %dma_wait3A_216 = tpu.memref_squeeze %dma_wait3A_215 : memref<1x128xi32, #tpu.memory_space<hbm>> -> memref<128xi32, #tpu.memory_space<hbm>>
        tpu.wait_dma2 semaphore(%dma_wait3A_211 : memref<!tpu.dma_semaphore, #tpu.memory_space<semaphore_mem>>) src(%dma_wait3A_216 : memref<128xi32, #tpu.memory_space<hbm>>) dst(%dma_wait3A_214 : memref<128xi32, #tpu.memory_space<vmem>>)
        %dma_start3A_217 = arith.constant 0 : i32
        %dma_start3A_218 = arith.constant 0 : i32
        %dma_start3A_219 = tpu.memref_slice %arg8[%rem3A_142, %dma_start3A_217, %dma_start3A_218] : memref<2x128x128xf32, #tpu.memory_space<vmem>> -> memref<1x128x128xf32, #tpu.memory_space<vmem>>
        %dma_start3A_220 = tpu.memref_squeeze %dma_start3A_219 : memref<1x128x128xf32, #tpu.memory_space<vmem>> -> memref<128x128xf32, #tpu.memory_space<vmem>>
        %dma_start3A_221 = arith.constant 0 : i32
        %dma_start3A_222 = tpu.memref_slice %arg6[%rem3A_142, %dma_start3A_221] : memref<2x128xi32, #tpu.memory_space<vmem>> -> memref<1x128xi32, #tpu.memory_space<vmem>>
        %dma_start3A_223 = tpu.memref_squeeze %dma_start3A_222 : memref<1x128xi32, #tpu.memory_space<vmem>> -> memref<128xi32, #tpu.memory_space<vmem>>
        %dma_start3A_224 = arith.constant 0 : i32
        %dma_start3A_225 = arith.constant 0 : i32
        %dma_start3A_226 = tpu.memref_slice %arg2[%dma_start3A_224, %dma_start3A_225] : memref<10112x128xf32, #tpu.memory_space<hbm>> -> memref<10112x128xf32, #tpu.memory_space<hbm>>
        %dma_start3A_227 = tpu.memref_slice %arg9[%rem3A_142] : memref<2x!tpu.dma_semaphore, #tpu.memory_space<semaphore_mem>> -> memref<1x!tpu.dma_semaphore, #tpu.memory_space<semaphore_mem>>
        %dma_start3A_228 = tpu.memref_squeeze %dma_start3A_227 : memref<1x!tpu.dma_semaphore, #tpu.memory_space<semaphore_mem>> -> memref<!tpu.dma_semaphore, #tpu.memory_space<semaphore_mem>>
        tpu.enqueue_indirect_dma source(%dma_start3A_226 : memref<10112x128xf32, #tpu.memory_space<hbm>>) target(%dma_start3A_220 : memref<128x128xf32, #tpu.memory_space<vmem>>) offsets(%dma_start3A_223 : memref<128xi32, #tpu.memory_space<vmem>>) semaphore(%dma_start3A_228 : memref<!tpu.dma_semaphore, #tpu.memory_space<semaphore_mem>>)
      } else {
      }
      %dma_wait3A_157 = arith.constant 0 : i32
      %dma_wait3A_158 = arith.constant 0 : i32
      %dma_wait3A_159 = tpu.memref_slice %arg8[%rem3A_138, %dma_wait3A_157, %dma_wait3A_158] : memref<2x128x128xf32, #tpu.memory_space<vmem>> -> memref<1x128x128xf32, #tpu.memory_space<vmem>>
      %dma_wait3A_160 = tpu.memref_squeeze %dma_wait3A_159 : memref<1x128x128xf32, #tpu.memory_space<vmem>> -> memref<128x128xf32, #tpu.memory_space<vmem>>
      %dma_wait3A_161 = arith.constant 0 : i32
      %dma_wait3A_162 = tpu.memref_slice %arg6[%rem3A_138, %dma_wait3A_161] : memref<2x128xi32, #tpu.memory_space<vmem>> -> memref<1x128xi32, #tpu.memory_space<vmem>>
      %dma_wait3A_163 = tpu.memref_squeeze %dma_wait3A_162 : memref<1x128xi32, #tpu.memory_space<vmem>> -> memref<128xi32, #tpu.memory_space<vmem>>
      %dma_wait3A_164 = arith.constant 0 : i32
      %dma_wait3A_165 = arith.constant 0 : i32
      %dma_wait3A_166 = tpu.memref_slice %arg2[%dma_wait3A_164, %dma_wait3A_165] : memref<10112x128xf32, #tpu.memory_space<hbm>> -> memref<10112x128xf32, #tpu.memory_space<hbm>>
      %dma_wait3A_167 = tpu.memref_slice %arg9[%rem3A_138] : memref<2x!tpu.dma_semaphore, #tpu.memory_space<semaphore_mem>> -> memref<1x!tpu.dma_semaphore, #tpu.memory_space<semaphore_mem>>
      %dma_wait3A_168 = tpu.memref_squeeze %dma_wait3A_167 : memref<1x!tpu.dma_semaphore, #tpu.memory_space<semaphore_mem>> -> memref<!tpu.dma_semaphore, #tpu.memory_space<semaphore_mem>>
      tpu.wait_indirect_dma semaphore(%dma_wait3A_168 : memref<!tpu.dma_semaphore, #tpu.memory_space<semaphore_mem>>) src(%dma_wait3A_166 : memref<10112x128xf32, #tpu.memory_space<hbm>>) dst(%dma_wait3A_160 : memref<128x128xf32, #tpu.memory_space<vmem>>)
      %add3A_169 = arith.constant 2 : i32
      %add3A_170 = arith.addi %while3A_135, %add3A_169 : i32
      %lt3A_171 = arith.cmpi slt, %add3A_170, %select_n3A : i32
      %convert_element_type3A_172 = arith.extui %lt3A_171 : i1 to i32
      %cond3A_173 = arith.constant 0 : i32
      %cond3A_174 = arith.cmpi ne, %convert_element_type3A_172, %cond3A_173 : i32
      scf.if %cond3A_174 {
        %add3A_199 = arith.constant 2 : i32
        %add3A_200 = arith.addi %while3A_135, %add3A_199 : i32
        %add3A_201 = arith.addi %add3A_4, %add3A_200 : i32
        %mul3A_202 = arith.constant 128 : i32
        %mul3A_203 = arith.muli %add3A_201, %mul3A_202 : i32
        %dma_start3A_204 = arith.constant 0 : i32
        %dma_start3A_205 = arith.constant 0 : i32
        %dma_start3A_206 = tpu.memref_slice %arg6[%rem3A_138, %dma_start3A_205] : memref<2x128xi32, #tpu.memory_space<vmem>> -> memref<1x128xi32, #tpu.memory_space<vmem>>
        %dma_start3A_207 = tpu.memref_squeeze %dma_start3A_206 : memref<1x128xi32, #tpu.memory_space<vmem>> -> memref<128xi32, #tpu.memory_space<vmem>>
        %dma_start3A_208 = tpu.memref_slice %arg3[%dma_start3A_204, %mul3A_203] : memref<2x320000xi32, #tpu.memory_space<hbm>> -> memref<1x128xi32, #tpu.memory_space<hbm>>
        %dma_start3A_209 = tpu.memref_squeeze %dma_start3A_208 : memref<1x128xi32, #tpu.memory_space<hbm>> -> memref<128xi32, #tpu.memory_space<hbm>>
        %dma_start3A_210 = tpu.memref_slice %arg10[%rem3A_138] : memref<2x!tpu.dma_semaphore, #tpu.memory_space<semaphore_mem>> -> memref<1x!tpu.dma_semaphore, #tpu.memory_space<semaphore_mem>>
        %dma_start3A_211 = tpu.memref_squeeze %dma_start3A_210 : memref<1x!tpu.dma_semaphore, #tpu.memory_space<semaphore_mem>> -> memref<!tpu.dma_semaphore, #tpu.memory_space<semaphore_mem>>
        %dma_start3A_212 = arith.constant 0 : i32
        %dma_start3A_213 = tpu.memref_slice %arg6[%rem3A_138, %dma_start3A_212] : memref<2x128xi32, #tpu.memory_space<vmem>> -> memref<1x128xi32, #tpu.memory_space<vmem>>
        %dma_start3A_214 = tpu.memref_squeeze %dma_start3A_213 : memref<1x128xi32, #tpu.memory_space<vmem>> -> memref<128xi32, #tpu.memory_space<vmem>>
        %dma_start3A_215 = tpu.memref_slice %arg3[%dma_start3A_204, %mul3A_203] : memref<2x320000xi32, #tpu.memory_space<hbm>> -> memref<1x128xi32, #tpu.memory_space<hbm>>
        %dma_start3A_216 = tpu.memref_squeeze %dma_start3A_215 : memref<1x128xi32, #tpu.memory_space<hbm>> -> memref<128xi32, #tpu.memory_space<hbm>>
        tpu.enqueue_dma source(%dma_start3A_216 : memref<128xi32, #tpu.memory_space<hbm>>) target(%dma_start3A_214 : memref<128xi32, #tpu.memory_space<vmem>>) target_semaphore(%dma_start3A_211 : memref<!tpu.dma_semaphore, #tpu.memory_space<semaphore_mem>>)
      } else {
      }
      %ge3A_175 = arith.constant 1 : i32
      %ge3A_176 = arith.cmpi sge, %while3A_135, %ge3A_175 : i32
      %convert_element_type3A_177 = arith.extui %ge3A_176 : i1 to i32
      %cond3A_178 = arith.constant 0 : i32
      %cond3A_179 = arith.cmpi ne, %convert_element_type3A_177, %cond3A_178 : i32
      scf.if %cond3A_179 {
        %add3A_199 = arith.addi %add3A_4, %while3A_135 : i32
        %mul3A_200 = arith.constant 128 : i32
        %mul3A_201 = arith.muli %add3A_199, %mul3A_200 : i32
        %dma_wait3A_202 = arith.constant 1 : i32
        %dma_wait3A_203 = arith.constant 0 : i32
        %dma_wait3A_204 = tpu.memref_slice %arg7[%rem3A_144, %dma_wait3A_203] : memref<3x128xi32, #tpu.memory_space<vmem>> -> memref<1x128xi32, #tpu.memory_space<vmem>>
        %dma_wait3A_205 = tpu.memref_squeeze %dma_wait3A_204 : memref<1x128xi32, #tpu.memory_space<vmem>> -> memref<128xi32, #tpu.memory_space<vmem>>
        %dma_wait3A_206 = tpu.memref_slice %arg3[%dma_wait3A_202, %mul3A_201] : memref<2x320000xi32, #tpu.memory_space<hbm>> -> memref<1x128xi32, #tpu.memory_space<hbm>>
        %dma_wait3A_207 = tpu.memref_squeeze %dma_wait3A_206 : memref<1x128xi32, #tpu.memory_space<hbm>> -> memref<128xi32, #tpu.memory_space<hbm>>
        %dma_wait3A_208 = tpu.memref_slice %arg11[%rem3A_144] : memref<3x!tpu.dma_semaphore, #tpu.memory_space<semaphore_mem>> -> memref<1x!tpu.dma_semaphore, #tpu.memory_space<semaphore_mem>>
        %dma_wait3A_209 = tpu.memref_squeeze %dma_wait3A_208 : memref<1x!tpu.dma_semaphore, #tpu.memory_space<semaphore_mem>> -> memref<!tpu.dma_semaphore, #tpu.memory_space<semaphore_mem>>
        %dma_wait3A_210 = arith.constant 0 : i32
        %dma_wait3A_211 = tpu.memref_slice %arg7[%rem3A_144, %dma_wait3A_210] : memref<3x128xi32, #tpu.memory_space<vmem>> -> memref<1x128xi32, #tpu.memory_space<vmem>>
        %dma_wait3A_212 = tpu.memref_squeeze %dma_wait3A_211 : memref<1x128xi32, #tpu.memory_space<vmem>> -> memref<128xi32, #tpu.memory_space<vmem>>
        %dma_wait3A_213 = tpu.memref_slice %arg3[%dma_wait3A_202, %mul3A_201] : memref<2x320000xi32, #tpu.memory_space<hbm>> -> memref<1x128xi32, #tpu.memory_space<hbm>>
        %dma_wait3A_214 = tpu.memref_squeeze %dma_wait3A_213 : memref<1x128xi32, #tpu.memory_space<hbm>> -> memref<128xi32, #tpu.memory_space<hbm>>
        tpu.wait_dma2 semaphore(%dma_wait3A_209 : memref<!tpu.dma_semaphore, #tpu.memory_space<semaphore_mem>>) src(%dma_wait3A_214 : memref<128xi32, #tpu.memory_space<hbm>>) dst(%dma_wait3A_212 : memref<128xi32, #tpu.memory_space<vmem>>)
      } else {
      }
      %dma_start3A_180 = arith.constant 0 : i32
      %dma_start3A_181 = arith.constant 0 : i32
      %dma_start3A_182 = tpu.memref_slice %arg8[%rem3A_138, %dma_start3A_180, %dma_start3A_181] : memref<2x128x128xf32, #tpu.memory_space<vmem>> -> memref<1x128x128xf32, #tpu.memory_space<vmem>>
      %dma_start3A_183 = tpu.memref_squeeze %dma_start3A_182 : memref<1x128x128xf32, #tpu.memory_space<vmem>> -> memref<128x128xf32, #tpu.memory_space<vmem>>
      %dma_start3A_184 = arith.constant 0 : i32
      %dma_start3A_185 = tpu.memref_slice %arg7[%rem3A_144, %dma_start3A_184] : memref<3x128xi32, #tpu.memory_space<vmem>> -> memref<1x128xi32, #tpu.memory_space<vmem>>
      %dma_start3A_186 = tpu.memref_squeeze %dma_start3A_185 : memref<1x128xi32, #tpu.memory_space<vmem>> -> memref<128xi32, #tpu.memory_space<vmem>>
      %dma_start3A_187 = arith.constant 0 : i32
      %dma_start3A_188 = arith.constant 0 : i32
      %dma_start3A_189 = tpu.memref_slice %arg5[%dma_start3A_187, %dma_start3A_188] : memref<10112x128xf32, #tpu.memory_space<vmem_shared>> -> memref<10112x128xf32, #tpu.memory_space<vmem_shared>>
      %dma_start3A_190 = tpu.memref_slice %arg12[%rem3A_138] : memref<2x!tpu.dma_semaphore, #tpu.memory_space<semaphore_mem>> -> memref<1x!tpu.dma_semaphore, #tpu.memory_space<semaphore_mem>>
      %dma_start3A_191 = tpu.memref_squeeze %dma_start3A_190 : memref<1x!tpu.dma_semaphore, #tpu.memory_space<semaphore_mem>> -> memref<!tpu.dma_semaphore, #tpu.memory_space<semaphore_mem>>
      tpu.enqueue_indirect_dma source(%dma_start3A_183 : memref<128x128xf32, #tpu.memory_space<vmem>>) target(%dma_start3A_189 : memref<10112x128xf32, #tpu.memory_space<vmem_shared>>) offsets(%dma_start3A_186 : memref<128xi32, #tpu.memory_space<vmem>>) semaphore(%dma_start3A_191 : memref<!tpu.dma_semaphore, #tpu.memory_space<semaphore_mem>>) {add = true}
      %add3A_192 = arith.constant 2 : i32
      %add3A_193 = arith.addi %while3A_135, %add3A_192 : i32
      %lt3A_194 = arith.cmpi slt, %add3A_193, %select_n3A : i32
      %convert_element_type3A_195 = arith.extui %lt3A_194 : i1 to i32
      %cond3A_196 = arith.constant 0 : i32
      %cond3A_197 = arith.cmpi ne, %convert_element_type3A_195, %cond3A_196 : i32
      scf.if %cond3A_197 {
        %add3A_199 = arith.constant 2 : i32
        %add3A_200 = arith.addi %while3A_135, %add3A_199 : i32
        %add3A_201 = arith.addi %add3A_4, %add3A_200 : i32
        %mul3A_202 = arith.constant 128 : i32
        %mul3A_203 = arith.muli %add3A_201, %mul3A_202 : i32
        %dma_start3A_204 = arith.constant 1 : i32
        %dma_start3A_205 = arith.constant 0 : i32
        %dma_start3A_206 = tpu.memref_slice %arg7[%rem3A_148, %dma_start3A_205] : memref<3x128xi32, #tpu.memory_space<vmem>> -> memref<1x128xi32, #tpu.memory_space<vmem>>
        %dma_start3A_207 = tpu.memref_squeeze %dma_start3A_206 : memref<1x128xi32, #tpu.memory_space<vmem>> -> memref<128xi32, #tpu.memory_space<vmem>>
        %dma_start3A_208 = tpu.memref_slice %arg3[%dma_start3A_204, %mul3A_203] : memref<2x320000xi32, #tpu.memory_space<hbm>> -> memref<1x128xi32, #tpu.memory_space<hbm>>
        %dma_start3A_209 = tpu.memref_squeeze %dma_start3A_208 : memref<1x128xi32, #tpu.memory_space<hbm>> -> memref<128xi32, #tpu.memory_space<hbm>>
        %dma_start3A_210 = tpu.memref_slice %arg11[%rem3A_148] : memref<3x!tpu.dma_semaphore, #tpu.memory_space<semaphore_mem>> -> memref<1x!tpu.dma_semaphore, #tpu.memory_space<semaphore_mem>>
        %dma_start3A_211 = tpu.memref_squeeze %dma_start3A_210 : memref<1x!tpu.dma_semaphore, #tpu.memory_space<semaphore_mem>> -> memref<!tpu.dma_semaphore, #tpu.memory_space<semaphore_mem>>
        %dma_start3A_212 = arith.constant 0 : i32
        %dma_start3A_213 = tpu.memref_slice %arg7[%rem3A_148, %dma_start3A_212] : memref<3x128xi32, #tpu.memory_space<vmem>> -> memref<1x128xi32, #tpu.memory_space<vmem>>
        %dma_start3A_214 = tpu.memref_squeeze %dma_start3A_213 : memref<1x128xi32, #tpu.memory_space<vmem>> -> memref<128xi32, #tpu.memory_space<vmem>>
        %dma_start3A_215 = tpu.memref_slice %arg3[%dma_start3A_204, %mul3A_203] : memref<2x320000xi32, #tpu.memory_space<hbm>> -> memref<1x128xi32, #tpu.memory_space<hbm>>
        %dma_start3A_216 = tpu.memref_squeeze %dma_start3A_215 : memref<1x128xi32, #tpu.memory_space<hbm>> -> memref<128xi32, #tpu.memory_space<hbm>>
        tpu.enqueue_dma source(%dma_start3A_216 : memref<128xi32, #tpu.memory_space<hbm>>) target(%dma_start3A_214 : memref<128xi32, #tpu.memory_space<vmem>>) target_semaphore(%dma_start3A_211 : memref<!tpu.dma_semaphore, #tpu.memory_space<semaphore_mem>>)
      } else {
      }
      %while3A_198 = arith.constant 0 : i32
      scf.yield %while3A_198 : i32
    }
    %sub3A = arith.constant 1 : i32
    %sub3A_113 = arith.subi %select_n3A, %sub3A : i32
    %rem3A = arith.constant 2 : i32
    %rem3A_114 = arith.remsi %sub3A_113, %rem3A : i32
    %sub3A_115 = arith.constant 1 : i32
    %sub3A_116 = arith.subi %select_n3A, %sub3A_115 : i32
    %rem3A_117 = arith.constant 3 : i32
    %rem3A_118 = arith.remsi %sub3A_116, %rem3A_117 : i32
    %dma_wait3A = arith.constant 0 : i32
    %dma_wait3A_119 = arith.constant 0 : i32
    %dma_wait3A_120 = tpu.memref_slice %arg8[%rem3A_114, %dma_wait3A, %dma_wait3A_119] : memref<2x128x128xf32, #tpu.memory_space<vmem>> -> memref<1x128x128xf32, #tpu.memory_space<vmem>>
    %dma_wait3A_121 = tpu.memref_squeeze %dma_wait3A_120 : memref<1x128x128xf32, #tpu.memory_space<vmem>> -> memref<128x128xf32, #tpu.memory_space<vmem>>
    %dma_wait3A_122 = arith.constant 0 : i32
    %dma_wait3A_123 = tpu.memref_slice %arg7[%rem3A_118, %dma_wait3A_122] : memref<3x128xi32, #tpu.memory_space<vmem>> -> memref<1x128xi32, #tpu.memory_space<vmem>>
    %dma_wait3A_124 = tpu.memref_squeeze %dma_wait3A_123 : memref<1x128xi32, #tpu.memory_space<vmem>> -> memref<128xi32, #tpu.memory_space<vmem>>
    %dma_wait3A_125 = arith.constant 0 : i32
    %dma_wait3A_126 = arith.constant 0 : i32
    %dma_wait3A_127 = tpu.memref_slice %arg5[%dma_wait3A_125, %dma_wait3A_126] : memref<10112x128xf32, #tpu.memory_space<vmem_shared>> -> memref<10112x128xf32, #tpu.memory_space<vmem_shared>>
    %dma_wait3A_128 = tpu.memref_slice %arg12[%rem3A_114] : memref<2x!tpu.dma_semaphore, #tpu.memory_space<semaphore_mem>> -> memref<1x!tpu.dma_semaphore, #tpu.memory_space<semaphore_mem>>
    %dma_wait3A_129 = tpu.memref_squeeze %dma_wait3A_128 : memref<1x!tpu.dma_semaphore, #tpu.memory_space<semaphore_mem>> -> memref<!tpu.dma_semaphore, #tpu.memory_space<semaphore_mem>>
    tpu.wait_indirect_dma semaphore(%dma_wait3A_129 : memref<!tpu.dma_semaphore, #tpu.memory_space<semaphore_mem>>) src(%dma_wait3A_121 : memref<128x128xf32, #tpu.memory_space<vmem>>) dst(%dma_wait3A_127 : memref<10112x128xf32, #tpu.memory_space<vmem_shared>>)
    %barrier3A_130 = arith.constant 0 : index
    tpu.barrier barrier_id(%barrier3A_130)
    %mul3A_131 = arith.constant 632 : i32
    %mul3A_132 = arith.muli %arg1, %mul3A_131 : i32
    %mul3A_133 = arith.constant 632 : i32
    %mul3A_134 = arith.muli %arg1, %mul3A_133 : i32
    "tpu.region"() ({
      %run_scoped3A_135 = tpu.sem_alloc : memref<!tpu.dma_semaphore, #tpu.memory_space<semaphore_mem>>
      %dma_start3A_136 = arith.constant 0 : i32
      %dma_start3A_137 = tpu.memref_slice %arg4[%arg0, %mul3A_134, %dma_start3A_136] : memref<2x10112x128xf32, #tpu.memory_space<hbm>> -> memref<1x632x128xf32, #tpu.memory_space<hbm>>
      %dma_start3A_138 = tpu.memref_squeeze %dma_start3A_137 : memref<1x632x128xf32, #tpu.memory_space<hbm>> -> memref<632x128xf32, #tpu.memory_space<hbm>>
      %dma_start3A_139 = arith.constant 0 : i32
      %dma_start3A_140 = tpu.memref_slice %arg5[%mul3A_132, %dma_start3A_139] : memref<10112x128xf32, #tpu.memory_space<vmem_shared>> -> memref<632x128xf32, #tpu.memory_space<vmem_shared>>
      tpu.enqueue_dma source(%dma_start3A_140 : memref<632x128xf32, #tpu.memory_space<vmem_shared>>) target(%dma_start3A_138 : memref<632x128xf32, #tpu.memory_space<hbm>>) target_semaphore(%run_scoped3A_135 : memref<!tpu.dma_semaphore, #tpu.memory_space<semaphore_mem>>)
      %dma_wait3A_141 = arith.constant 0 : i32
      %dma_wait3A_142 = tpu.memref_slice %arg4[%arg0, %mul3A_134, %dma_wait3A_141] : memref<2x10112x128xf32, #tpu.memory_space<hbm>> -> memref<1x632x128xf32, #tpu.memory_space<hbm>>
      %dma_wait3A_143 = tpu.memref_squeeze %dma_wait3A_142 : memref<1x632x128xf32, #tpu.memory_space<hbm>> -> memref<632x128xf32, #tpu.memory_space<hbm>>
      %dma_wait3A_144 = arith.constant 0 : i32
      %dma_wait3A_145 = tpu.memref_slice %arg5[%mul3A_132, %dma_wait3A_144] : memref<10112x128xf32, #tpu.memory_space<vmem_shared>> -> memref<632x128xf32, #tpu.memory_space<vmem_shared>>
      tpu.wait_dma2 semaphore(%run_scoped3A_135 : memref<!tpu.dma_semaphore, #tpu.memory_space<semaphore_mem>>) src(%dma_wait3A_145 : memref<632x128xf32, #tpu.memory_space<vmem_shared>>) dst(%dma_wait3A_143 : memref<632x128xf32, #tpu.memory_space<hbm>>)
      tpu.yield
    }) : () -> ()
    return
  }
}

#map = affine_map<(d0, d1) -> (0, 0)>
module attributes {stable_mosaic.version = 14 : i64} {
  func.func @_deg_kernel(%arg0: i32, %arg1: i32, %arg2: memref<2x320000xi32, #tpu.memory_space<hbm>>, %arg3: memref<2x10240xf32, #tpu.memory_space<hbm>>, %arg4: memref<10240xf32, #tpu.memory_space<vmem_shared>>, %arg5: memref<79x128xi32, #tpu.memory_space<vmem>>, %arg6: memref<128xf32, #tpu.memory_space<vmem>>, %arg7: memref<640xf32, #tpu.memory_space<vmem>>, %arg8: memref<!tpu.dma_semaphore, #tpu.memory_space<semaphore_mem>>, %arg9: memref<!tpu.dma_semaphore, #tpu.memory_space<semaphore_mem>>) attributes {dimension_semantics = [#tpu.dimension_semantics<core_parallel>, #tpu.dimension_semantics<subcore_parallel>], iteration_bounds = array<i64: 2, 16>, scalar_prefetch = 0 : i64, scratch_operands = 6 : i64, tpu.core_type = #tpu.core_type<sc_vector_subcore>, window_params = [{transform_indices = #map}, {transform_indices = #map}]} {
    %mul3A = arith.constant 16 : i32
    %mul3A_0 = arith.muli %arg0, %mul3A : i32
    %add3A = arith.addi %mul3A_0, %arg1 : i32
    %mul3A_1 = arith.constant 78 : i32
    %mul3A_2 = arith.muli %add3A, %mul3A_1 : i32
    %min3A = arith.constant 4 : i32
    %min3A_3 = arith.minsi %add3A, %min3A : i32
    %add3A_4 = arith.addi %mul3A_2, %min3A_3 : i32
    %lt3A = arith.constant 4 : i32
    %lt3A_5 = arith.cmpi slt, %add3A, %lt3A : i32
    %jit3A = arith.constant 79 : i32
    %jit3A_6 = arith.constant 78 : i32
    %select_n3A = arith.select %lt3A_5, %jit3A, %jit3A_6 : i32
    %while3A = arith.constant 0 : i32
    %while3A_7 = arith.constant 0 : i32
    %while3A_8 = arith.subi %select_n3A, %while3A : i32
    %while3A_9 = arith.addi %while3A, %while3A_8 : i32
    %while3A_10 = arith.constant 1 : i32
    %while3A_11 = arith.divsi %while3A_8, %while3A_10 : i32
    %while3A_12 = arith.muli %while3A_11, %while3A_10 : i32
    %while3A_13 = arith.addi %while3A, %while3A_12 : i32
    %while3A_14 = arith.constant 1 : i32
    %while3A_15 = scf.for %while3A_89 = %while3A to %while3A_13 step %while3A_14 iter_args(%while3A_90 = %while3A_7) -> (i32)  : i32 {
      %add3A_91 = arith.addi %add3A_4, %while3A_89 : i32
      %mul3A_92 = arith.constant 128 : i32
      %mul3A_93 = arith.muli %add3A_91, %mul3A_92 : i32
      %dma_start3A = arith.constant 1 : i32
      %dma_start3A_94 = arith.constant 0 : i32
      %dma_start3A_95 = tpu.memref_slice %arg5[%while3A_89, %dma_start3A_94] : memref<79x128xi32, #tpu.memory_space<vmem>> -> memref<1x128xi32, #tpu.memory_space<vmem>>
      %dma_start3A_96 = tpu.memref_squeeze %dma_start3A_95 : memref<1x128xi32, #tpu.memory_space<vmem>> -> memref<128xi32, #tpu.memory_space<vmem>>
      %dma_start3A_97 = tpu.memref_slice %arg2[%dma_start3A, %mul3A_93] : memref<2x320000xi32, #tpu.memory_space<hbm>> -> memref<1x128xi32, #tpu.memory_space<hbm>>
      %dma_start3A_98 = tpu.memref_squeeze %dma_start3A_97 : memref<1x128xi32, #tpu.memory_space<hbm>> -> memref<128xi32, #tpu.memory_space<hbm>>
      %dma_start3A_99 = arith.constant 0 : i32
      %dma_start3A_100 = tpu.memref_slice %arg5[%while3A_89, %dma_start3A_99] : memref<79x128xi32, #tpu.memory_space<vmem>> -> memref<1x128xi32, #tpu.memory_space<vmem>>
      %dma_start3A_101 = tpu.memref_squeeze %dma_start3A_100 : memref<1x128xi32, #tpu.memory_space<vmem>> -> memref<128xi32, #tpu.memory_space<vmem>>
      %dma_start3A_102 = tpu.memref_slice %arg2[%dma_start3A, %mul3A_93] : memref<2x320000xi32, #tpu.memory_space<hbm>> -> memref<1x128xi32, #tpu.memory_space<hbm>>
      %dma_start3A_103 = tpu.memref_squeeze %dma_start3A_102 : memref<1x128xi32, #tpu.memory_space<hbm>> -> memref<128xi32, #tpu.memory_space<hbm>>
      tpu.enqueue_dma source(%dma_start3A_103 : memref<128xi32, #tpu.memory_space<hbm>>) target(%dma_start3A_101 : memref<128xi32, #tpu.memory_space<vmem>>) target_semaphore(%arg8 : memref<!tpu.dma_semaphore, #tpu.memory_space<semaphore_mem>>)
      %while3A_104 = arith.constant 0 : i32
      scf.yield %while3A_104 : i32
    }
    %while3A_16 = arith.constant 1 : i32
    %while3A_17 = scf.for %while3A_89 = %while3A_13 to %while3A_9 step %while3A_16 iter_args(%while3A_90 = %while3A_15) -> (i32)  : i32 {
      %add3A_91 = arith.addi %add3A_4, %while3A_89 : i32
      %mul3A_92 = arith.constant 128 : i32
      %mul3A_93 = arith.muli %add3A_91, %mul3A_92 : i32
      %dma_start3A = arith.constant 1 : i32
      %dma_start3A_94 = arith.constant 0 : i32
      %dma_start3A_95 = tpu.memref_slice %arg5[%while3A_89, %dma_start3A_94] : memref<79x128xi32, #tpu.memory_space<vmem>> -> memref<1x128xi32, #tpu.memory_space<vmem>>
      %dma_start3A_96 = tpu.memref_squeeze %dma_start3A_95 : memref<1x128xi32, #tpu.memory_space<vmem>> -> memref<128xi32, #tpu.memory_space<vmem>>
      %dma_start3A_97 = tpu.memref_slice %arg2[%dma_start3A, %mul3A_93] : memref<2x320000xi32, #tpu.memory_space<hbm>> -> memref<1x128xi32, #tpu.memory_space<hbm>>
      %dma_start3A_98 = tpu.memref_squeeze %dma_start3A_97 : memref<1x128xi32, #tpu.memory_space<hbm>> -> memref<128xi32, #tpu.memory_space<hbm>>
      %dma_start3A_99 = arith.constant 0 : i32
      %dma_start3A_100 = tpu.memref_slice %arg5[%while3A_89, %dma_start3A_99] : memref<79x128xi32, #tpu.memory_space<vmem>> -> memref<1x128xi32, #tpu.memory_space<vmem>>
      %dma_start3A_101 = tpu.memref_squeeze %dma_start3A_100 : memref<1x128xi32, #tpu.memory_space<vmem>> -> memref<128xi32, #tpu.memory_space<vmem>>
      %dma_start3A_102 = tpu.memref_slice %arg2[%dma_start3A, %mul3A_93] : memref<2x320000xi32, #tpu.memory_space<hbm>> -> memref<1x128xi32, #tpu.memory_space<hbm>>
      %dma_start3A_103 = tpu.memref_squeeze %dma_start3A_102 : memref<1x128xi32, #tpu.memory_space<hbm>> -> memref<128xi32, #tpu.memory_space<hbm>>
      tpu.enqueue_dma source(%dma_start3A_103 : memref<128xi32, #tpu.memory_space<hbm>>) target(%dma_start3A_101 : memref<128xi32, #tpu.memory_space<vmem>>) target_semaphore(%arg8 : memref<!tpu.dma_semaphore, #tpu.memory_space<semaphore_mem>>)
      %while3A_104 = arith.constant 0 : i32
      scf.yield %while3A_104 : i32
    }
    %broadcast_in_dim3A = arith.constant 1.000000e+00 : f32
    %broadcast_in_dim3A_18 = vector.broadcast %broadcast_in_dim3A : f32 to vector<16xf32>
    %broadcast_in_dim3A_19 = arith.constant 0.000000e+00 : f32
    %broadcast_in_dim3A_20 = vector.broadcast %broadcast_in_dim3A_19 : f32 to vector<16xf32>
    %swap3A = arith.constant 0 : index
    %swap3A_21 = tpu.vector_load %arg6[%swap3A] {strides = array<i32>} : memref<128xf32, #tpu.memory_space<vmem>>, vector<16xf32>,
    %swap3A_22 = vector.shape_cast %swap3A_21 : vector<16xf32> to vector<16xf32>
    %swap3A_23 = vector.shape_cast %broadcast_in_dim3A_18 : vector<16xf32> to vector<16xf32>
    tpu.vector_store %arg6[%swap3A], %swap3A_23 {strides = array<i32>} : memref<128xf32, #tpu.memory_space<vmem>>, vector<16xf32>,
    %swap3A_24 = arith.constant 16 : index
    %swap3A_25 = tpu.vector_load %arg6[%swap3A_24] {strides = array<i32>} : memref<128xf32, #tpu.memory_space<vmem>>, vector<16xf32>,
    %swap3A_26 = vector.shape_cast %swap3A_25 : vector<16xf32> to vector<16xf32>
    %swap3A_27 = vector.shape_cast %broadcast_in_dim3A_18 : vector<16xf32> to vector<16xf32>
    tpu.vector_store %arg6[%swap3A_24], %swap3A_27 {strides = array<i32>} : memref<128xf32, #tpu.memory_space<vmem>>, vector<16xf32>,
    %swap3A_28 = arith.constant 32 : index
    %swap3A_29 = tpu.vector_load %arg6[%swap3A_28] {strides = array<i32>} : memref<128xf32, #tpu.memory_space<vmem>>, vector<16xf32>,
    %swap3A_30 = vector.shape_cast %swap3A_29 : vector<16xf32> to vector<16xf32>
    %swap3A_31 = vector.shape_cast %broadcast_in_dim3A_18 : vector<16xf32> to vector<16xf32>
    tpu.vector_store %arg6[%swap3A_28], %swap3A_31 {strides = array<i32>} : memref<128xf32, #tpu.memory_space<vmem>>, vector<16xf32>,
    %swap3A_32 = arith.constant 48 : index
    %swap3A_33 = tpu.vector_load %arg6[%swap3A_32] {strides = array<i32>} : memref<128xf32, #tpu.memory_space<vmem>>, vector<16xf32>,
    %swap3A_34 = vector.shape_cast %swap3A_33 : vector<16xf32> to vector<16xf32>
    %swap3A_35 = vector.shape_cast %broadcast_in_dim3A_18 : vector<16xf32> to vector<16xf32>
    tpu.vector_store %arg6[%swap3A_32], %swap3A_35 {strides = array<i32>} : memref<128xf32, #tpu.memory_space<vmem>>, vector<16xf32>,
    %swap3A_36 = arith.constant 64 : index
    %swap3A_37 = tpu.vector_load %arg6[%swap3A_36] {strides = array<i32>} : memref<128xf32, #tpu.memory_space<vmem>>, vector<16xf32>,
    %swap3A_38 = vector.shape_cast %swap3A_37 : vector<16xf32> to vector<16xf32>
    %swap3A_39 = vector.shape_cast %broadcast_in_dim3A_18 : vector<16xf32> to vector<16xf32>
    tpu.vector_store %arg6[%swap3A_36], %swap3A_39 {strides = array<i32>} : memref<128xf32, #tpu.memory_space<vmem>>, vector<16xf32>,
    %swap3A_40 = arith.constant 80 : index
    %swap3A_41 = tpu.vector_load %arg6[%swap3A_40] {strides = array<i32>} : memref<128xf32, #tpu.memory_space<vmem>>, vector<16xf32>,
    %swap3A_42 = vector.shape_cast %swap3A_41 : vector<16xf32> to vector<16xf32>
    %swap3A_43 = vector.shape_cast %broadcast_in_dim3A_18 : vector<16xf32> to vector<16xf32>
    tpu.vector_store %arg6[%swap3A_40], %swap3A_43 {strides = array<i32>} : memref<128xf32, #tpu.memory_space<vmem>>, vector<16xf32>,
    %swap3A_44 = arith.constant 96 : index
    %swap3A_45 = tpu.vector_load %arg6[%swap3A_44] {strides = array<i32>} : memref<128xf32, #tpu.memory_space<vmem>>, vector<16xf32>,
    %swap3A_46 = vector.shape_cast %swap3A_45 : vector<16xf32> to vector<16xf32>
    %swap3A_47 = vector.shape_cast %broadcast_in_dim3A_18 : vector<16xf32> to vector<16xf32>
    tpu.vector_store %arg6[%swap3A_44], %swap3A_47 {strides = array<i32>} : memref<128xf32, #tpu.memory_space<vmem>>, vector<16xf32>,
    %swap3A_48 = arith.constant 112 : index
    %swap3A_49 = tpu.vector_load %arg6[%swap3A_48] {strides = array<i32>} : memref<128xf32, #tpu.memory_space<vmem>>, vector<16xf32>,
    %swap3A_50 = vector.shape_cast %swap3A_49 : vector<16xf32> to vector<16xf32>
    %swap3A_51 = vector.shape_cast %broadcast_in_dim3A_18 : vector<16xf32> to vector<16xf32>
    tpu.vector_store %arg6[%swap3A_48], %swap3A_51 {strides = array<i32>} : memref<128xf32, #tpu.memory_space<vmem>>, vector<16xf32>,
    %scan3A = arith.constant 0 : i32
    %scan3A_52 = arith.constant 0 : i32
    %scan3A_53 = arith.constant 40 : i32
    %scan3A_54 = arith.addi %scan3A_52, %scan3A_53 : i32
    %scan3A_55 = arith.constant 1 : i32
    %scan3A_56 = scf.for %scan3A_89 = %scan3A_52 to %scan3A_54 step %scan3A_55 iter_args(%scan3A_90 = %scan3A) -> (i32)  : i32 {
      %mul3A_91 = arith.constant 16 : i32
      %mul3A_92 = arith.muli %scan3A_89, %mul3A_91 : i32
      %swap3A_93 = arith.index_cast %mul3A_92 : i32 to index
      %swap3A_94 = tpu.vector_load %arg7[%swap3A_93] {strides = array<i32>} : memref<640xf32, #tpu.memory_space<vmem>>, vector<16xf32>,
      %swap3A_95 = vector.shape_cast %swap3A_94 : vector<16xf32> to vector<16xf32>
      %swap3A_96 = vector.shape_cast %broadcast_in_dim3A_20 : vector<16xf32> to vector<16xf32>
      tpu.vector_store %arg7[%swap3A_93], %swap3A_96 {strides = array<i32>} : memref<640xf32, #tpu.memory_space<vmem>>, vector<16xf32>,
      %scan3A_97 = arith.constant 0 : i32
      scf.yield %scan3A_97 : i32
    }
    %scan3A_57 = arith.constant 40 : i32
    %mul3A_58 = arith.constant 640 : i32
    %mul3A_59 = arith.muli %arg1, %mul3A_58 : i32
    "tpu.region"() ({
      %run_scoped3A = tpu.sem_alloc : memref<!tpu.dma_semaphore, #tpu.memory_space<semaphore_mem>>
      %dma_start3A = tpu.memref_slice %arg4[%mul3A_59] : memref<10240xf32, #tpu.memory_space<vmem_shared>> -> memref<640xf32, #tpu.memory_space<vmem_shared>>
      %dma_start3A_89 = tpu.memref_slice %arg4[%mul3A_59] : memref<10240xf32, #tpu.memory_space<vmem_shared>> -> memref<640xf32, #tpu.memory_space<vmem_shared>>
      tpu.enqueue_dma source(%arg7 : memref<640xf32, #tpu.memory_space<vmem>>) target(%dma_start3A_89 : memref<640xf32, #tpu.memory_space<vmem_shared>>) target_semaphore(%run_scoped3A : memref<!tpu.dma_semaphore, #tpu.memory_space<semaphore_mem>>)
      %dma_wait3A = tpu.memref_slice %arg4[%mul3A_59] : memref<10240xf32, #tpu.memory_space<vmem_shared>> -> memref<640xf32, #tpu.memory_space<vmem_shared>>
      %dma_wait3A_90 = tpu.memref_slice %arg4[%mul3A_59] : memref<10240xf32, #tpu.memory_space<vmem_shared>> -> memref<640xf32, #tpu.memory_space<vmem_shared>>
      tpu.wait_dma2 semaphore(%run_scoped3A : memref<!tpu.dma_semaphore, #tpu.memory_space<semaphore_mem>>) src(%arg7 : memref<640xf32, #tpu.memory_space<vmem>>) dst(%dma_wait3A_90 : memref<640xf32, #tpu.memory_space<vmem_shared>>)
      tpu.yield
    }) : () -> ()
    %barrier3A = arith.constant 0 : index
    tpu.barrier barrier_id(%barrier3A)
    %while3A_60 = arith.constant 0 : i32
    %while3A_61 = arith.constant 0 : i32
    %while3A_62 = arith.subi %select_n3A, %while3A_60 : i32
    %while3A_63 = arith.addi %while3A_60, %while3A_62 : i32
    %while3A_64 = arith.constant 1 : i32
    %while3A_65 = arith.divsi %while3A_62, %while3A_64 : i32
    %while3A_66 = arith.muli %while3A_65, %while3A_64 : i32
    %while3A_67 = arith.addi %while3A_60, %while3A_66 : i32
    %while3A_68 = arith.constant 1 : i32
    %while3A_69 = scf.for %while3A_89 = %while3A_60 to %while3A_67 step %while3A_68 iter_args(%while3A_90 = %while3A_61) -> (i32)  : i32 {
      %add3A_91 = arith.addi %add3A_4, %while3A_89 : i32
      %mul3A_92 = arith.constant 128 : i32
      %mul3A_93 = arith.muli %add3A_91, %mul3A_92 : i32
      %dma_wait3A = arith.constant 1 : i32
      %dma_wait3A_94 = arith.constant 0 : i32
      %dma_wait3A_95 = tpu.memref_slice %arg5[%while3A_89, %dma_wait3A_94] : memref<79x128xi32, #tpu.memory_space<vmem>> -> memref<1x128xi32, #tpu.memory_space<vmem>>
      %dma_wait3A_96 = tpu.memref_squeeze %dma_wait3A_95 : memref<1x128xi32, #tpu.memory_space<vmem>> -> memref<128xi32, #tpu.memory_space<vmem>>
      %dma_wait3A_97 = tpu.memref_slice %arg2[%dma_wait3A, %mul3A_93] : memref<2x320000xi32, #tpu.memory_space<hbm>> -> memref<1x128xi32, #tpu.memory_space<hbm>>
      %dma_wait3A_98 = tpu.memref_squeeze %dma_wait3A_97 : memref<1x128xi32, #tpu.memory_space<hbm>> -> memref<128xi32, #tpu.memory_space<hbm>>
      %dma_wait3A_99 = arith.constant 0 : i32
      %dma_wait3A_100 = tpu.memref_slice %arg5[%while3A_89, %dma_wait3A_99] : memref<79x128xi32, #tpu.memory_space<vmem>> -> memref<1x128xi32, #tpu.memory_space<vmem>>
      %dma_wait3A_101 = tpu.memref_squeeze %dma_wait3A_100 : memref<1x128xi32, #tpu.memory_space<vmem>> -> memref<128xi32, #tpu.memory_space<vmem>>
      %dma_wait3A_102 = tpu.memref_slice %arg2[%dma_wait3A, %mul3A_93] : memref<2x320000xi32, #tpu.memory_space<hbm>> -> memref<1x128xi32, #tpu.memory_space<hbm>>
      %dma_wait3A_103 = tpu.memref_squeeze %dma_wait3A_102 : memref<1x128xi32, #tpu.memory_space<hbm>> -> memref<128xi32, #tpu.memory_space<hbm>>
      tpu.wait_dma2 semaphore(%arg8 : memref<!tpu.dma_semaphore, #tpu.memory_space<semaphore_mem>>) src(%dma_wait3A_103 : memref<128xi32, #tpu.memory_space<hbm>>) dst(%dma_wait3A_101 : memref<128xi32, #tpu.memory_space<vmem>>)
      %dma_start3A = arith.constant 0 : i32
      %dma_start3A_104 = tpu.memref_slice %arg5[%while3A_89, %dma_start3A] : memref<79x128xi32, #tpu.memory_space<vmem>> -> memref<1x128xi32, #tpu.memory_space<vmem>>
      %dma_start3A_105 = tpu.memref_squeeze %dma_start3A_104 : memref<1x128xi32, #tpu.memory_space<vmem>> -> memref<128xi32, #tpu.memory_space<vmem>>
      %dma_start3A_106 = arith.constant 0 : i32
      %dma_start3A_107 = tpu.memref_slice %arg4[%dma_start3A_106] : memref<10240xf32, #tpu.memory_space<vmem_shared>> -> memref<10240xf32, #tpu.memory_space<vmem_shared>>
      tpu.enqueue_indirect_dma source(%arg6 : memref<128xf32, #tpu.memory_space<vmem>>) target(%dma_start3A_107 : memref<10240xf32, #tpu.memory_space<vmem_shared>>) offsets(%dma_start3A_105 : memref<128xi32, #tpu.memory_space<vmem>>) semaphore(%arg9 : memref<!tpu.dma_semaphore, #tpu.memory_space<semaphore_mem>>) {add = true}
      %while3A_108 = arith.constant 0 : i32
      scf.yield %while3A_108 : i32
    }
    %while3A_70 = arith.constant 1 : i32
    %while3A_71 = scf.for %while3A_89 = %while3A_67 to %while3A_63 step %while3A_70 iter_args(%while3A_90 = %while3A_69) -> (i32)  : i32 {
      %add3A_91 = arith.addi %add3A_4, %while3A_89 : i32
      %mul3A_92 = arith.constant 128 : i32
      %mul3A_93 = arith.muli %add3A_91, %mul3A_92 : i32
      %dma_wait3A = arith.constant 1 : i32
      %dma_wait3A_94 = arith.constant 0 : i32
      %dma_wait3A_95 = tpu.memref_slice %arg5[%while3A_89, %dma_wait3A_94] : memref<79x128xi32, #tpu.memory_space<vmem>> -> memref<1x128xi32, #tpu.memory_space<vmem>>
      %dma_wait3A_96 = tpu.memref_squeeze %dma_wait3A_95 : memref<1x128xi32, #tpu.memory_space<vmem>> -> memref<128xi32, #tpu.memory_space<vmem>>
      %dma_wait3A_97 = tpu.memref_slice %arg2[%dma_wait3A, %mul3A_93] : memref<2x320000xi32, #tpu.memory_space<hbm>> -> memref<1x128xi32, #tpu.memory_space<hbm>>
      %dma_wait3A_98 = tpu.memref_squeeze %dma_wait3A_97 : memref<1x128xi32, #tpu.memory_space<hbm>> -> memref<128xi32, #tpu.memory_space<hbm>>
      %dma_wait3A_99 = arith.constant 0 : i32
      %dma_wait3A_100 = tpu.memref_slice %arg5[%while3A_89, %dma_wait3A_99] : memref<79x128xi32, #tpu.memory_space<vmem>> -> memref<1x128xi32, #tpu.memory_space<vmem>>
      %dma_wait3A_101 = tpu.memref_squeeze %dma_wait3A_100 : memref<1x128xi32, #tpu.memory_space<vmem>> -> memref<128xi32, #tpu.memory_space<vmem>>
      %dma_wait3A_102 = tpu.memref_slice %arg2[%dma_wait3A, %mul3A_93] : memref<2x320000xi32, #tpu.memory_space<hbm>> -> memref<1x128xi32, #tpu.memory_space<hbm>>
      %dma_wait3A_103 = tpu.memref_squeeze %dma_wait3A_102 : memref<1x128xi32, #tpu.memory_space<hbm>> -> memref<128xi32, #tpu.memory_space<hbm>>
      tpu.wait_dma2 semaphore(%arg8 : memref<!tpu.dma_semaphore, #tpu.memory_space<semaphore_mem>>) src(%dma_wait3A_103 : memref<128xi32, #tpu.memory_space<hbm>>) dst(%dma_wait3A_101 : memref<128xi32, #tpu.memory_space<vmem>>)
      %dma_start3A = arith.constant 0 : i32
      %dma_start3A_104 = tpu.memref_slice %arg5[%while3A_89, %dma_start3A] : memref<79x128xi32, #tpu.memory_space<vmem>> -> memref<1x128xi32, #tpu.memory_space<vmem>>
      %dma_start3A_105 = tpu.memref_squeeze %dma_start3A_104 : memref<1x128xi32, #tpu.memory_space<vmem>> -> memref<128xi32, #tpu.memory_space<vmem>>
      %dma_start3A_106 = arith.constant 0 : i32
      %dma_start3A_107 = tpu.memref_slice %arg4[%dma_start3A_106] : memref<10240xf32, #tpu.memory_space<vmem_shared>> -> memref<10240xf32, #tpu.memory_space<vmem_shared>>
      tpu.enqueue_indirect_dma source(%arg6 : memref<128xf32, #tpu.memory_space<vmem>>) target(%dma_start3A_107 : memref<10240xf32, #tpu.memory_space<vmem_shared>>) offsets(%dma_start3A_105 : memref<128xi32, #tpu.memory_space<vmem>>) semaphore(%arg9 : memref<!tpu.dma_semaphore, #tpu.memory_space<semaphore_mem>>) {add = true}
      %while3A_108 = arith.constant 0 : i32
      scf.yield %while3A_108 : i32
    }
    %while3A_72 = arith.constant 0 : i32
    %while3A_73 = arith.constant 0 : i32
    %while3A_74 = arith.subi %select_n3A, %while3A_72 : i32
    %while3A_75 = arith.addi %while3A_72, %while3A_74 : i32
    %while3A_76 = arith.constant 1 : i32
    %while3A_77 = arith.divsi %while3A_74, %while3A_76 : i32
    %while3A_78 = arith.muli %while3A_77, %while3A_76 : i32
    %while3A_79 = arith.addi %while3A_72, %while3A_78 : i32
    %while3A_80 = arith.constant 1 : i32
    %while3A_81 = scf.for %while3A_89 = %while3A_72 to %while3A_79 step %while3A_80 iter_args(%while3A_90 = %while3A_73) -> (i32)  : i32 {
      %dma_wait3A = arith.constant 0 : i32
      %dma_wait3A_91 = tpu.memref_slice %arg5[%while3A_89, %dma_wait3A] : memref<79x128xi32, #tpu.memory_space<vmem>> -> memref<1x128xi32, #tpu.memory_space<vmem>>
      %dma_wait3A_92 = tpu.memref_squeeze %dma_wait3A_91 : memref<1x128xi32, #tpu.memory_space<vmem>> -> memref<128xi32, #tpu.memory_space<vmem>>
      %dma_wait3A_93 = arith.constant 0 : i32
      %dma_wait3A_94 = tpu.memref_slice %arg4[%dma_wait3A_93] : memref<10240xf32, #tpu.memory_space<vmem_shared>> -> memref<10240xf32, #tpu.memory_space<vmem_shared>>
      tpu.wait_indirect_dma semaphore(%arg9 : memref<!tpu.dma_semaphore, #tpu.memory_space<semaphore_mem>>) src(%arg6 : memref<128xf32, #tpu.memory_space<vmem>>) dst(%dma_wait3A_94 : memref<10240xf32, #tpu.memory_space<vmem_shared>>)
      %while3A_95 = arith.constant 0 : i32
      scf.yield %while3A_95 : i32
    }
    %while3A_82 = arith.constant 1 : i32
    %while3A_83 = scf.for %while3A_89 = %while3A_79 to %while3A_75 step %while3A_82 iter_args(%while3A_90 = %while3A_81) -> (i32)  : i32 {
      %dma_wait3A = arith.constant 0 : i32
      %dma_wait3A_91 = tpu.memref_slice %arg5[%while3A_89, %dma_wait3A] : memref<79x128xi32, #tpu.memory_space<vmem>> -> memref<1x128xi32, #tpu.memory_space<vmem>>
      %dma_wait3A_92 = tpu.memref_squeeze %dma_wait3A_91 : memref<1x128xi32, #tpu.memory_space<vmem>> -> memref<128xi32, #tpu.memory_space<vmem>>
      %dma_wait3A_93 = arith.constant 0 : i32
      %dma_wait3A_94 = tpu.memref_slice %arg4[%dma_wait3A_93] : memref<10240xf32, #tpu.memory_space<vmem_shared>> -> memref<10240xf32, #tpu.memory_space<vmem_shared>>
      tpu.wait_indirect_dma semaphore(%arg9 : memref<!tpu.dma_semaphore, #tpu.memory_space<semaphore_mem>>) src(%arg6 : memref<128xf32, #tpu.memory_space<vmem>>) dst(%dma_wait3A_94 : memref<10240xf32, #tpu.memory_space<vmem_shared>>)
      %while3A_95 = arith.constant 0 : i32
      scf.yield %while3A_95 : i32
    }
    %barrier3A_84 = arith.constant 0 : index
    tpu.barrier barrier_id(%barrier3A_84)
    %mul3A_85 = arith.constant 640 : i32
    %mul3A_86 = arith.muli %arg1, %mul3A_85 : i32
    %mul3A_87 = arith.constant 640 : i32
    %mul3A_88 = arith.muli %arg1, %mul3A_87 : i32
    "tpu.region"() ({
      %run_scoped3A = tpu.sem_alloc : memref<!tpu.dma_semaphore, #tpu.memory_space<semaphore_mem>>
      %dma_start3A = tpu.memref_slice %arg3[%arg0, %mul3A_88] : memref<2x10240xf32, #tpu.memory_space<hbm>> -> memref<1x640xf32, #tpu.memory_space<hbm>>
      %dma_start3A_89 = tpu.memref_squeeze %dma_start3A : memref<1x640xf32, #tpu.memory_space<hbm>> -> memref<640xf32, #tpu.memory_space<hbm>>
      %dma_start3A_90 = tpu.memref_slice %arg4[%mul3A_86] : memref<10240xf32, #tpu.memory_space<vmem_shared>> -> memref<640xf32, #tpu.memory_space<vmem_shared>>
      tpu.enqueue_dma source(%dma_start3A_90 : memref<640xf32, #tpu.memory_space<vmem_shared>>) target(%dma_start3A_89 : memref<640xf32, #tpu.memory_space<hbm>>) target_semaphore(%run_scoped3A : memref<!tpu.dma_semaphore, #tpu.memory_space<semaphore_mem>>)
      %dma_wait3A = tpu.memref_slice %arg3[%arg0, %mul3A_88] : memref<2x10240xf32, #tpu.memory_space<hbm>> -> memref<1x640xf32, #tpu.memory_space<hbm>>
      %dma_wait3A_91 = tpu.memref_squeeze %dma_wait3A : memref<1x640xf32, #tpu.memory_space<hbm>> -> memref<640xf32, #tpu.memory_space<hbm>>
      %dma_wait3A_92 = tpu.memref_slice %arg4[%mul3A_86] : memref<10240xf32, #tpu.memory_space<vmem_shared>> -> memref<640xf32, #tpu.memory_space<vmem_shared>>
      tpu.wait_dma2 semaphore(%run_scoped3A : memref<!tpu.dma_semaphore, #tpu.memory_space<semaphore_mem>>) src(%dma_wait3A_92 : memref<640xf32, #tpu.memory_space<vmem_shared>>) dst(%dma_wait3A_91 : memref<640xf32, #tpu.memory_space<hbm>>)
      tpu.yield
    }) : () -> ()
    return
  }
}

module attributes {stable_mosaic.version = 14 : i64} {
  func.func @_scale_body(%arg0: memref<10000x128xf32, #tpu.memory_space<vmem>>, %arg1: memref<2x10240xf32, #tpu.memory_space<vmem>>, %arg2: memref<10112x128xf32, #tpu.memory_space<vmem>>) attributes {dimension_semantics = [], scalar_prefetch = 0 : i64, scratch_operands = 0 : i64, tpu.core_type = #tpu.core_type<tc>} {
    %get3A = arith.constant 0 : index
    %get3A_0 = arith.constant 0 : index
    %get3A_1 = vector.load %arg0[%get3A, %get3A_0] : memref<10000x128xf32, #tpu.memory_space<vmem>>, vector<10000x128xf32>
    %get3A_2 = arith.constant 0 : index
    %get3A_3 = arith.constant 0 : index
    %get3A_4 = vector.load %arg1[%get3A_2, %get3A_3] : memref<2x10240xf32, #tpu.memory_space<vmem>>, vector<2x10240xf32>
    %slice3A = vector.extract_strided_slice %get3A_4 {offsets = [0, 0], sizes = [1, 10240], strides = [1, 1]} : vector<2x10240xf32> to vector<1x10240xf32>
    %squeeze3A = vector.shape_cast %slice3A : vector<1x10240xf32> to vector<10240xf32>
    %slice3A_5 = vector.extract_strided_slice %get3A_4 {offsets = [1, 0], sizes = [1, 10240], strides = [1, 1]} : vector<2x10240xf32> to vector<1x10240xf32>
    %squeeze3A_6 = vector.shape_cast %slice3A_5 : vector<1x10240xf32> to vector<10240xf32>
    %add3A = arith.addf %squeeze3A, %squeeze3A_6 : vector<10240xf32>
    %max3A = arith.constant 1.000000e+00 : f32
    %max3A_7 = vector.broadcast %max3A : f32 to vector<10240xf32>
    %max3A_8 = arith.maximumf %add3A, %max3A_7 : vector<10240xf32>
    %rsqrt3A = math.rsqrt %max3A_8 : vector<10240xf32>
    %slice3A_9 = vector.extract_strided_slice %rsqrt3A {offsets = [0], sizes = [10000], strides = [1]} : vector<10240xf32> to vector<10000xf32>
    %broadcast_in_dim3A = vector.shape_cast %slice3A_9 : vector<10000xf32> to vector<10000x1xf32>
    %mul3A = vector.broadcast %broadcast_in_dim3A : vector<10000x1xf32> to vector<10000x128xf32>
    %mul3A_10 = arith.mulf %get3A_1, %mul3A : vector<10000x128xf32>
    %swap3A = arith.constant 0 : index
    %swap3A_11 = arith.constant 0 : index
    %swap3A_12 = vector.load %arg2[%swap3A, %swap3A_11] : memref<10112x128xf32, #tpu.memory_space<vmem>>, vector<10000x128xf32>
    tpu.vector_store %arg2[%swap3A, %swap3A_11], %mul3A_10 {strides = array<i32>} : memref<10112x128xf32, #tpu.memory_space<vmem>>, vector<10000x128xf32>,
    %broadcast_in_dim3A_13 = arith.constant 0.000000e+00 : f32
    %broadcast_in_dim3A_14 = vector.broadcast %broadcast_in_dim3A_13 : f32 to vector<112x128xf32>
    %swap3A_15 = arith.constant 10000 : index
    %swap3A_16 = arith.constant 0 : index
    %swap3A_17 = vector.load %arg2[%swap3A_15, %swap3A_16] : memref<10112x128xf32, #tpu.memory_space<vmem>>, vector<112x128xf32>
    tpu.vector_store %arg2[%swap3A_15, %swap3A_16], %broadcast_in_dim3A_14 {strides = array<i32>} : memref<10112x128xf32, #tpu.memory_space<vmem>>, vector<112x128xf32>,
    return
  }
}

module attributes {stable_mosaic.version = 14 : i64} {
  func.func @_post_body(%arg0: memref<2x10112x128xf32, #tpu.memory_space<vmem>>, %arg1: memref<2x10240xf32, #tpu.memory_space<vmem>>, %arg2: memref<10000x128xf32, #tpu.memory_space<vmem>>) attributes {dimension_semantics = [], scalar_prefetch = 0 : i64, scratch_operands = 0 : i64, tpu.core_type = #tpu.core_type<tc>} {
    %get3A = arith.constant 0 : index
    %get3A_0 = arith.constant 0 : index
    %get3A_1 = arith.constant 0 : index
    %get3A_2 = vector.load %arg0[%get3A, %get3A_0, %get3A_1] : memref<2x10112x128xf32, #tpu.memory_space<vmem>>, vector<1x10112x128xf32>
    %get3A_3 = vector.shape_cast %get3A_2 : vector<1x10112x128xf32> to vector<10112x128xf32>
    %get3A_4 = arith.constant 1 : index
    %get3A_5 = arith.constant 0 : index
    %get3A_6 = arith.constant 0 : index
    %get3A_7 = vector.load %arg0[%get3A_4, %get3A_5, %get3A_6] : memref<2x10112x128xf32, #tpu.memory_space<vmem>>, vector<1x10112x128xf32>
    %get3A_8 = vector.shape_cast %get3A_7 : vector<1x10112x128xf32> to vector<10112x128xf32>
    %add3A = arith.addf %get3A_3, %get3A_8 : vector<10112x128xf32>
    %slice3A = vector.extract_strided_slice %add3A {offsets = [0, 0], sizes = [10000, 128], strides = [1, 1]} : vector<10112x128xf32> to vector<10000x128xf32>
    %get3A_9 = arith.constant 0 : index
    %get3A_10 = arith.constant 0 : index
    %get3A_11 = vector.load %arg1[%get3A_9, %get3A_10] : memref<2x10240xf32, #tpu.memory_space<vmem>>, vector<2x10240xf32>
    %slice3A_12 = vector.extract_strided_slice %get3A_11 {offsets = [0, 0], sizes = [1, 10240], strides = [1, 1]} : vector<2x10240xf32> to vector<1x10240xf32>
    %squeeze3A = vector.shape_cast %slice3A_12 : vector<1x10240xf32> to vector<10240xf32>
    %slice3A_13 = vector.extract_strided_slice %get3A_11 {offsets = [1, 0], sizes = [1, 10240], strides = [1, 1]} : vector<2x10240xf32> to vector<1x10240xf32>
    %squeeze3A_14 = vector.shape_cast %slice3A_13 : vector<1x10240xf32> to vector<10240xf32>
    %add3A_15 = arith.addf %squeeze3A, %squeeze3A_14 : vector<10240xf32>
    %max3A = arith.constant 1.000000e+00 : f32
    %max3A_16 = vector.broadcast %max3A : f32 to vector<10240xf32>
    %max3A_17 = arith.maximumf %add3A_15, %max3A_16 : vector<10240xf32>
    %rsqrt3A = math.rsqrt %max3A_17 : vector<10240xf32>
    %slice3A_18 = vector.extract_strided_slice %rsqrt3A {offsets = [0], sizes = [10000], strides = [1]} : vector<10240xf32> to vector<10000xf32>
    %broadcast_in_dim3A = vector.shape_cast %slice3A_18 : vector<10000xf32> to vector<10000x1xf32>
    %mul3A = vector.broadcast %broadcast_in_dim3A : vector<10000x1xf32> to vector<10000x128xf32>
    %mul3A_19 = arith.mulf %slice3A, %mul3A : vector<10000x128xf32>
    %swap3A = arith.constant 0 : index
    %swap3A_20 = arith.constant 0 : index
    %swap3A_21 = vector.load %arg2[%swap3A, %swap3A_20] : memref<10000x128xf32, #tpu.memory_space<vmem>>, vector<10000x128xf32>
    tpu.vector_store %arg2[%swap3A, %swap3A_20], %mul3A_19 {strides = array<i32>} : memref<10000x128xf32, #tpu.memory_space<vmem>>, vector<10000x128xf32>,
    return
  }
}

module attributes {stable_mosaic.version = 14 : i64} {
  func.func @_mm_body(%arg0: memref<10000x128xf32, #tpu.memory_space<vmem>>, %arg1: memref<128x128xf32, #tpu.memory_space<vmem>>, %arg2: memref<128x128xf32, #tpu.memory_space<vmem>>, %arg3: memref<10000x128xf32, #tpu.memory_space<vmem>>) attributes {dimension_semantics = [], scalar_prefetch = 0 : i64, scratch_operands = 0 : i64, tpu.core_type = #tpu.core_type<tc>} {
    %get3A = arith.constant 0 : index
    %get3A_0 = arith.constant 0 : index
    %get3A_1 = vector.load %arg1[%get3A, %get3A_0] : memref<128x128xf32, #tpu.memory_space<vmem>>, vector<128x128xf32>
    %get3A_2 = arith.constant 0 : index
    %get3A_3 = arith.constant 0 : index
    %get3A_4 = vector.load %arg2[%get3A_2, %get3A_3] : memref<128x128xf32, #tpu.memory_space<vmem>>, vector<128x128xf32>
    %dot_general3A = arith.constant dense<0.000000e+00> : vector<128x128xf32>
    %dot_general3A_5 = tpu.matmul %get3A_1, %get3A_4, %dot_general3A {dimension_numbers = #tpu.dot_dimension_numbers<[1], [0], [0], [1], [0, 0, 1, 1], [], []>, transpose_lhs_hint = false} : vector<128x128xf32>, vector<128x128xf32>, vector<128x128xf32> -> vector<128x128xf32>
    %get3A_6 = arith.constant 0 : index
    %get3A_7 = arith.constant 0 : index
    %get3A_8 = vector.load %arg0[%get3A_6, %get3A_7] : memref<10000x128xf32, #tpu.memory_space<vmem>>, vector<10000x128xf32>
    %dot_general3A_9 = arith.constant dense<0.000000e+00> : vector<10000x128xf32>
    %dot_general3A_10 = tpu.matmul %get3A_8, %dot_general3A_5, %dot_general3A_9 {dimension_numbers = #tpu.dot_dimension_numbers<[1], [0], [0], [1], [0, 0, 1, 1], [], []>, transpose_lhs_hint = false} : vector<10000x128xf32>, vector<128x128xf32>, vector<10000x128xf32> -> vector<10000x128xf32>
    %swap3A = arith.constant 0 : index
    %swap3A_11 = arith.constant 0 : index
    %swap3A_12 = vector.load %arg3[%swap3A, %swap3A_11] : memref<10000x128xf32, #tpu.memory_space<vmem>>, vector<10000x128xf32>
    tpu.vector_store %arg3[%swap3A, %swap3A_11], %dot_general3A_10 {strides = array<i32>} : memref<10000x128xf32, #tpu.memory_space<vmem>>, vector<10000x128xf32>,
    return
  }
}

</mosaic_0001>

<sc_bundles>
// kernel: kernel.10.cloned.1.call-start
scs
__scs_entry_jumppad:
0x0: {  	(pc) =	sbr.rel $0x88, $3  }
0x1: {  	(tag) =	ssettag $0x0;
	lr =	simm.s32 $0x1  }
0x2: {  	[smem:$0x3F9D] =	sst lr;
	_ =	strace $0xD0000000  }
0x3: {  	_ = 	snop  }
0x4: {  	_ = 	snop  }
0x5: {  	_ = 	snop  }
0x6: {  	_ = 	snop  }
0x7: {  	_ = 	snop  }
__scs_overlays_trampoline_lowered:
0x8: {  	[smem:$0x3FAC] =	sst s0  }
0x9: {  	[smem:$0x3FAD] =	sst s1  }
0xa: {  	[smem:$0x3FAE] =	sst s2  }
0xb: {  	[smem:$0x3FAF] =	sst s3  }
0xc: {  	[smem:$0x3FB0] =	sst s4  }
0xd: {  	[smem:$0x3FB1] =	sst s5  }
0xe: {  	[smem:$0x3FB2] =	sst s6  }
0xf: {  	[smem:$0x3FB3] =	sst s7  }
0x10: {  	[smem:$0x3FB4] =	sst s8  }
0x11: {  	[smem:$0x3FB5] =	sst s9;
	s0 =	simm.s32 @!p0 $0x0  }
0x12: {  	s1 =	sld [smem:$0x3F9B];
	s0 =	simm.s32 @p0 $0x1  }
0x13: {  	[smem:$0x3FB6] =	sst s0;
	s0 =	simm.s32 @!p1 $0x0  }
0x14: {  	s2 =	sld [smem:$0x3F9A];
	s0 =	simm.s32 @p1 $0x1  }
0x15: {  	[smem:$0x3FB7] =	sst s0;
	s0 =	simm.s32 @!p2 $0x0  }
0x16: {  	s3 =	sld [smem:$0x3FDB];
	s0 =	simm.s32 @p2 $0x1  }
0x17: {  	s4 =	simm.s32 $0x1BF5;
	[smem:$0x3FB9] =	sst s0  }
0x18: {  	s0 =	sld [smem:$0x3F9C];
	_ =	swait.ge [sflag:s4], $0x0  }
0x19: {  	s7 =	sld [smem:$0x3F9D]  }
0x1a: {  	s8 =	sadd.s32 $0xFFFFE003, lr  }
0x1b: {  	s9 =	sadd.s32 $0xFFFFFEF7, lr;
	s5 =	simm.s32 $0xFFFFFFFF;
	p2 =	slt.u32 s8, $0xFFFFF086  }
0x1c: {  	p1 =	slt.u32 s9, $0xF7A;
	s5 =	simm.s32 @!p2 $0x0  }
0x1d: {  	s5 =	simm.s32 @p1 $0x1;
	p0 =	seq.s32 s7, s2  }
0x1e: {  	s7 =	smul.u32 @!p0 $0xF7A, s2;
	p2 =	seq.s32 @!p0 s5, $0x0  }
0x1f: {  	s9 =	smul.u32 $0xF7A, s1;
	s8 =	simm.s32 @!p0 $0x1BF5;
	p2 =	por !p2, p0  }
0x20: {  	[sflag:s8] =	ssyncset.s32 @!p0 $0xFFFFF086;
	s6 =	sadd.s32 @!p0 s3, s7;
	s7 =	simm.s32 @!p0 $0x108  }
0x21: {  	s3 =	sadd.s32 s3, s9;
	s6 =	sadd.s32 @!p0 $0x88, s6;
	s7 =	simm.s32 @p2 $0x1082  }
0x22: {  	[simem:s7], [sflag:s8] =	dma.local @!p0 [hbm:s6], $0xF7A  }
0x23: {  	s9 =	sor.u32 $0xD0000000, s2;
	s6 =	simm.s32 $0x108;
	_ =	swait.ge @!p0 [sflag:s8], $0x0  }
0x24: {  	s3 =	sadd.s32 $0x88, s3;
	s6 =	simm.s32 @!p1 $0x1082;
	[sflag:s4] =	ssyncset.s32 $0xFFFFF086  }
0x25: {  	[simem:s6], [sflag:s4] =	dma.local [hbm:s3], $0xF7A  }
0x26: {  	[smem:$0x3F9D] =	sst s1;
	(tag) =	ssettag s2;
	_ =	strace s9  }
0x27: {  	s1 =	sld [smem:$0x3FAD]  }
0x28: {  	s2 =	sld [smem:$0x3FAE]  }
0x29: {  	s4 =	sld [smem:$0x3FB0]  }
0x2a: {  	p0 =	seq.s32 s5, $0x0;
	s5 =	sld [smem:$0x3FB1]  }
0x2b: {  	s6 =	sld [smem:$0x3FB2]  }
0x2c: {  	s7 =	sld [smem:$0x3FB3]  }
0x2d: {  	s3 =	simm.s32 $0x108;
	s8 =	sld [smem:$0x3FB4]  }
0x2e: {  	s3 =	simm.s32 @!p0 $0x1082;
	s9 =	sld [smem:$0x3FB5]  }
0x2f: {  	lr =	sadd.s32 s0, s3;
	s0 =	sld [smem:$0x3FAC]  }
0x30: {  	s3 =	sld [smem:$0x3FAF]  }
0x31: {  	[smem:$0x3FB8] =	sst s10  }
0x32: {  	s10 =	sld [smem:$0x3FB6];
	_ =	sdelay $0x3  }
0x33: {  	p0 =	seq.s32 s10, $0x1;
	s10 =	sld [smem:$0x3FB8];
	_ =	sdelay $0x3  }
0x34: {  	[smem:$0x3FB8] =	sst s10  }
0x35: {  	s10 =	sld [smem:$0x3FB7];
	_ =	sdelay $0x3  }
0x36: {  	p1 =	seq.s32 s10, $0x1;
	s10 =	sld [smem:$0x3FB8];
	_ =	sdelay $0x3  }
0x37: {  	[smem:$0x3FB8] =	sst s10  }
0x38: {  	s10 =	sld [smem:$0x3FB9]  }
0x39: {  	_ = 	snop;
	(pc) =	sbr.ind lr, $3  }
0x3a: {  	_ = 	snop  }
0x3b: {  	_ = 	snop  }
0x3c: {  	p2 =	seq.s32 s10, $0x1;
	s10 =	sld [smem:$0x3FB8]  }
0x3d: {  	_ =	shalt  }
0x3e: {  	_ =	shalt  }
0x3f: {  	_ =	shalt  }
0x40: {  	_ =	shalt  }
0x41: {  	_ =	shalt  }
0x42: {  	_ =	shalt  }
0x43: {  	_ =	shalt  }
0x44: {  	_ =	shalt  }
0x45: {  	_ =	shalt  }
0x46: {  	_ =	shalt  }
0x47: {  	_ =	shalt  }
0x48: {  	_ =	shalt  }
0x49: {  	_ =	shalt  }
0x4a: {  	_ =	shalt  }
0x4b: {  	_ =	shalt  }
0x4c: {  	_ =	shalt  }
0x4d: {  	_ =	shalt  }
0x4e: {  	_ =	shalt  }
0x4f: {  	_ =	shalt  }
0x50: {  	_ =	shalt  }
0x51: {  	_ =	shalt  }
0x52: {  	_ =	shalt  }
0x53: {  	_ =	shalt  }
0x54: {  	_ =	shalt  }
0x55: {  	_ =	shalt  }
0x56: {  	_ =	shalt  }
0x57: {  	_ =	shalt  }
0x58: {  	_ =	shalt  }
0x59: {  	_ =	shalt  }
0x5a: {  	_ =	shalt  }
0x5b: {  	_ =	shalt  }
0x5c: {  	_ =	shalt  }
0x5d: {  	_ =	shalt  }
0x5e: {  	_ =	shalt  }
0x5f: {  	_ =	shalt  }
0x60: {  	_ =	shalt  }
0x61: {  	_ =	shalt  }
0x62: {  	_ =	shalt  }
0x63: {  	_ =	shalt  }
0x64: {  	_ =	shalt  }
0x65: {  	_ =	shalt  }
0x66: {  	_ =	shalt  }
0x67: {  	_ =	shalt  }
0x68: {  	_ =	shalt  }
0x69: {  	_ =	shalt  }
0x6a: {  	_ =	shalt  }
0x6b: {  	_ =	shalt  }
0x6c: {  	_ =	shalt  }
0x6d: {  	_ =	shalt  }
0x6e: {  	_ =	shalt  }
0x6f: {  	_ =	shalt  }
0x70: {  	_ =	shalt  }
0x71: {  	_ =	shalt  }
0x72: {  	_ =	shalt  }
0x73: {  	_ =	shalt  }
0x74: {  	_ =	shalt  }
0x75: {  	_ =	shalt  }
0x76: {  	_ =	shalt  }
0x77: {  	_ =	shalt  }
0x78: {  	_ =	shalt  }
0x79: {  	_ =	shalt  }
0x7a: {  	_ =	shalt  }
0x7b: {  	_ =	shalt  }
0x7c: {  	_ =	shalt  }
0x7d: {  	_ =	shalt  }
0x7e: {  	_ =	shalt  }
0x7f: {  	_ =	shalt  }
0x80: {  	_ =	shalt  }
0x81: {  	_ =	shalt  }
0x82: {  	_ =	shalt  }
0x83: {  	_ =	shalt  }
0x84: {  	_ =	shalt  }
0x85: {  	_ =	shalt  }
0x86: {  	_ =	shalt  }
0x87: {  	_ =	shalt  }
.Lfunc_end0:
.L_simem_size_0:
called_computation.1_lowered:
.L_overlay_start_0:
0x88: {  	s2 =	sld [smem:$0x3FD9]  }
0x89: {  	s3 =	sld [smem:$0x3FFE];
	_ =	sdelay $0x1  }
0x8a: {  	s1 =	srdreg.scid  }
0x8b: {  	s0 =	sand.u32 $0x1, s1  }
0x8c: {  	s17 =	sshll.u32 s0, $0xA;
	s2 =	sadd.s32 s3, s2  }
0x8d: {  	s2 =	sadd.s32 s2, s17  }
0x8e: {  	[smem:$0x3FC4] =	sst s2  }
0x8f: {  	_ = 	snop  }
0x90: {  	s2 =	sld [smem:$0x3FC8];
	(tm) =	ssettm $0x1  }
0x91: {  	s18 =	sld [smem:$0x3FFB];
	_ =	sdelay $0x3  }
0x92: {  	_ =	strace s18  }
0x93: {  	s3 =	sld [smem:$0x3FFC];
	_ =	sdelay $0x3  }
0x94: {  	_ =	strace s3  }
0x95: {  	s3 =	sld [smem:$0x3FFD];
	_ =	sdelay $0x3  }
0x96: {  	_ =	strace s3  }
0x97: {  	_ =	strace $0x8FFFFFFF  }
0x98: {  	s19 =	sld [smem:$0x3FDB];
	_ =	sdelay $0x1  }
0x99: {  	s4 =	simm.s32 $_scs_section_size  }
0x9a: {  	s5 =	simm.s32 $_size__tile_overlayer_lowered;
	s6 =	simm.s32 $_tile_overlayer_lowered  }
0x9b: {  	s22 =	simm.s32 $0x1BFF;
	s21 =	sshll.u32 s6, $0x1;
	s3 =	sadd.s32 s4, s19  }
0x9c: {  	s7 =	simm.s32 $0x0;
	s20 =	sshll.u32 s5, $0x1;
	s5 =	sadd.s32 s21, s3  }
0x9d: {  	[timem:s7], [sflag:s22] =	dma.local [hbm:s5], s20  }
0x9e: {  	_ =	swait.ge [sflag:s22], s20  }
0x9f: {  	s4 =	ssub.s32 $0x0, s20;
	[sflag:s22] =	ssyncset.done $0x0  }
0xa0: {  	[sflag:s22] =	ssyncadd.s32 s4;
	_ =	sdelay $0x1  }
0xa1: {  	s23 =	simm.s32 $0x1B8B  }
0xa2: {  	_ =	swait.ge [sflag:s23], $0x1  }
0xa3: {  	[sflag:s23] =	ssyncset.done $0x0  }
0xa4: {  	s25 =	simm.s32 $0x1B8E;
	s24 =	sld [smem:$0x3FFE];
	[sflag:s23] =	ssyncadd.s32 $0xFFFFFFFF  }
0xa5: {  	s26 =	simm.s32 $execute0_lowered;
	[smem:$0x3FD2] =	sst s25  }
0xa6: {  	s5 =	sshll.u32 s26, $0x1;
	_ =	strace $0x80000049;
	[dreg:$0x1] =	wrdreg $0xFFFFFFFF  }
0xa7: {  	s28 =	simm.s32 $_size_execute0_lowered;
	s3 =	sadd.s32 s3, s5;
	[dreg:$0x0] =	wrdreg $0x0  }
0xa8: {  	s5 =	sshll.u32 s28, $0x1;
	[dreg:$0x2] =	wrdreg s3  }
0xa9: {  	[dreg:$0x3] =	wrdreg s5  }
0xaa: {  	[dreg:$0x4] =	wrdreg $0xC0  }
0xab: {  	_ =	task [dreg:s7], $0x5FFFF  }
0xac: {  	[dreg:$0x1] =	wrdreg $0xFFFFFFFF  }
0xad: {  	[dreg:$0x0] =	wrdreg $0x60  }
0xae: {  	[dreg:$0x2] =	wrdreg s24  }
0xaf: {  	[dreg:$0x3] =	wrdreg s2  }
0xb0: {  	[dreg:$0x4] =	wrdreg $0x0  }
0xb1: {  	[dreg:$0x5] =	wrdreg $0x9  }
0xb2: {  	_ =	task.clear_ibuf [dreg:s7], $0x6FFFF;
	_ =	strace $0x90000049  }
0xb3: {  	s29 =	simm.s32 $0x9;
	_ =	strace $0x8000004B  }
0xb4: {  	_ =	swait.ge [sflag:s29], $0x1  }
0xb5: {  	[sflag:s29] =	ssyncadd.s32 $0xFFFFFFFF  }
0xb6: {  	_ =	strace $0x9000004B  }
0xb7: {  	_ =	sfence  }
0xb8: {  	s30 =	sld [smem:$0x0];
	_ =	sdelay $0x2  }
0xb9: {  	s31 =	sshll.u32 s1, $0xD;
	s1 =	sshrl.u32 s1, $0x2  }
0xba: {  	s3 =	sand.u32 $0x4000, s31;
	s1 =	sadd.s32 s1, s30  }
0xbb: {  	s0 =	sor.u32 s3, s0;
	s1 =	sshll.u32 s1, $0x11  }
0xbc: {  	s0 =	sor.u32 s1, s0  }
0xbd: {  	s0 =	sadd.s32 $0x8F2B, s0  }
0xbe: {  	[sflag:s0] =	ssyncadd.remote.s32 $0x1  }
0xbf: {  	_ =	sfence.sel $0xFFFF  }
0xc0: {  	[dreg:$0x0] =	wrdreg $0xFFFFFFFF;
	(pc) =	sbr.abs _section_cstart, $3  }
0xc1: {  	[dreg:$0x1] =	wrdreg $0xFFFFFFFF  }
0xc2: {  	_ =	task.clear_ibuf [dreg:s7], $0x2FFFF;
	_ =	strace $0x9FFFFFFF  }
0xc3: {  	(tm) =	ssettm $0x7FFFFFFF  }
tec
execute0_lowered:
.L_overlay_start_1:
0x0: {  	(tag) =	ssettag $0x1  }
0x1: {  	s0 =	rddreg [dreg:$0x0];
	s1 =	stileid.u32  }
0x2: {  	s2 =	rddreg [dreg:$0x1];
	s7 =	smul.u32 $0x13C00, s1  }
0x3: {  	s3 =	srdreg.scid;
	s13 =	simm.s32 $0x0;
	s17 =	smul.u32 $0x4F000, s1  }
0x4: {  	s6 =	sand.u32 $0x1, s3;
	[smem:$0x7FF] =	sst s13;
	s13 =	smul.u32 $0x4E, s1  }
0x5: {  	s10 =	rddreg [dreg:$0x2];
	s4 =	sadd.s32 $0x1400, s0;
	s5 =	smul.u32 $0x13C000, s6  }
0x6: {  	_ =	strace $0x8000004A;
	s14 =	ssub.s32 $0x2, s6;
	s8 =	sshll.u32 s6, $0x4  }
0x7: {  	s6 =	smul.u32 $0x4E0, s6;
	s9 =	sshrl.u32 s14, $0x1;
	s8 =	sor.u32 s1, s8  }
0x8: {  	s21 =	sshrl.u32 s17, $0x2;
	s5 =	sadd.s32 s7, s5;
	s7 =	ssub.s32 s14, s9  }
0x9: {  	s15 =	smul.u32 $0x4E, s8;
	s11 =	smin.u32 s8, $0x4;
	p0 =	slt.u32 s8, $0x4  }
0xa: {  	s3 =	sadd.s32 s21, s10;
	s6 =	sadd.s32 s13, s6;
	s5 =	sshrl.u32 s5, $0x3  }
0xb: {  	s23 =	sadd.s32 $0x4000, s3;
	s24 =	sadd.s32 $0x8000, s3;
	[dreg:$0x8] =	wrdreg s3  }
0xc: {  	s6 =	sadd.s32 s11, s6;
	s25 =	sadd.s32 $0xC000, s3;
	[dreg:$0x9] =	wrdreg s23  }
0xd: {  	s28 =	sadd.s32 $0x10000, s3;
	s30 =	smax.u32 s7, $0x1;
	[dreg:$0xa] =	wrdreg s24  }
0xe: {  	s0 =	sadd.s32 s5, s0;
	s5 =	simm.s32 $0x4F;
	[dreg:$0xb] =	wrdreg s25  }
0xf: {  	s16 =	sadd.s32 s11, s15;
	s6 =	sshll.u32 s6, $0x5;
	[dreg:$0xc] =	wrdreg s28  }
0x10: {  	[dreg:$0xf] =	wrdreg s30;
	s8 =	sshll.u32 s16, $0x5;
	s0 =	sadd.s32 $0x28C00, s0  }
0x11: {  	s18 =	sadd.s32 s2, s8;
	s2 =	sadd.s32 $0x10, s2;
	[dreg:$0xe] =	wrdreg s0  }
0x12: {  	s5 =	simm.s32 @!p0 $0x4E;
	s19 =	sadd.s32 s8, s2;
	[dreg:$0x4] =	wrdreg s18  }
0x13: {  	s12 =	sxor.u32 $0xFFFFFFFF, s5;
	s20 =	sadd.s32 $0x20, s18;
	[dreg:$0x5] =	wrdreg s19  }
0x14: {  	s22 =	sadd.s32 $0x30, s18;
	s26 =	sand.u32 $0x1, s12;
	[dreg:$0x6] =	wrdreg s20  }
0x15: {  	s2 =	sadd.s32 s2, s6;
	[dreg:$0x7] =	wrdreg s22;
	s29 =	sor.u32 $0x8, s26  }
0x16: {  	s1 =	simm.s32 $0x0;
	s31 =	sadd.s32 $0x40, s2;
	[dreg:$0xd] =	wrdreg s29  }
0x17: {  	v0 =	vimm.f32 $0.0e+00;
	s6 =	simm.s32 $0xA;
	s8 =	simm.s32 $0x80;
	[dreg:$0x10] =	wrdreg s31  }
.LBB2_1:
0x18: {  	[dreg:$0x11] =	wrdreg s1  }
0x19: {  	s0 =	simm.s32 $0x0;
	s24 =	rddreg [dreg:$0x4];
	s2 =	simm.s32 $0x13C00  }
0x1a: {  	[tilespmem:s2], [sflag:$0xA] =	stream.linear.gather [hbm4b:s24+s0], $0x80, $0x38;
	[tilespmem:$0x1BF00] =	vst v63  }
0x1b: {  	_ =	swait.ge [sflag:s6], $0x80  }
0x1c: {  	[sflag:s6] =	ssyncset.done $0x0  }
0x1d: {  	s7 =	simm.s32 $0x13D00;
	s25 =	rddreg [dreg:$0x5];
	[sflag:s6] =	ssyncadd.s32 $0xFFFFFF80  }
0x1e: {  	[tilespmem:s7], [sflag:$0xA] =	stream.linear.gather [hbm4b:s25+s0], $0x80, $0x38;
	[tilespmem:$0x1BF00] =	vst v63  }
0x1f: {  	_ =	swait.ge [sflag:s6], $0x80  }
0x20: {  	[sflag:s6] =	ssyncset.done $0x0  }
0x21: {  	s26 =	simm.s32 $0x13F00;
	[sflag:s6] =	ssyncadd.s32 $0xFFFFFF80  }
0x22: {  	[tilespmem:s26], [sflag:$0x1] =	stream.indirect.gather [hbm4b:s4+s8], $0x80, s2, s8, $0xb8;
	[tilespmem:$0x1BF00] =	vst v63  }
0x23: {  	s29 =	simm.s32 $0x13C80;
	s28 =	rddreg [dreg:$0x6]  }
0x24: {  	[tilespmem:s29], [sflag:$0x4] =	stream.linear.gather [hbm4b:s28+s0], $0x80, $0x38;
	[tilespmem:$0x1BF00] =	vst v63  }
0x25: {  	s31 =	simm.s32 $0x13D80;
	s30 =	rddreg [dreg:$0x7]  }
0x26: {  	[tilespmem:s31], [sflag:$0x6] =	stream.linear.gather [hbm4b:s30+s0], $0x80, $0x38;
	[tilespmem:$0x1BF00] =	vst v63  }
0x27: {  	s2 =	simm.s32 $0x200;
	s0 =	simm.s32 $0x0  }
.LBB2_2:
0x28: {  	p0 =	sne.s32 s2, $0xFE00;
	[tilespmem:s0+$0x17F70] =	vst v0  }
0x29: {  	[tilespmem:s0+$0x17F00] =	vst v0  }
0x2a: {  	[tilespmem:s0+$0x17F10] =	vst v0  }
.Ltmp0:
0x2b: {  	[tilespmem:s0+$0x17F20] =	vst v0;
	(pc) =	sbr.rel @p0 .LBB2_2-.Ltmp0, $4  }
0x2c: {  	[tilespmem:s0+$0x17F30] =	vst v0  }
0x2d: {  	[tilespmem:s0+$0x17F40] =	vst v0  }
0x2e: {  	[tilespmem:s0+$0x17F50] =	vst v0  }
0x2f: {  	[tilespmem:s0+$0x17F60] =	vst v0;
	s0 =	sshra.s32 s2, $0x2;
	s2 =	sadd.s32 $0x200, s2  }
0x30: {  	[tilespmem:s0+$0x17F70] =	vst v0  }
0x31: {  	[tilespmem:s0+$0x17F00] =	vst v0  }
0x32: {  	[tilespmem:s0+$0x17F10] =	vst v0  }
0x33: {  	[tilespmem:s0+$0x17F20] =	vst v0  }
0x34: {  	[tilespmem:s0+$0x17F30] =	vst v0  }
0x35: {  	[tilespmem:s0+$0x17F40] =	vst v0  }
0x36: {  	[tilespmem:s0+$0x17F50] =	vst v0  }
0x37: {  	[tilespmem:s0+$0x17F60] =	vst v0;
	s1 =	simm.s32 $0x17F00  }
0x38: {  	[spmem:s3] =	stream.linear.scatter [tilespmem:s1], [sflag:$0xA], $0x4000, $0x38;
	[tilespmem:$0x1BF00] =	vst v63  }
0x39: {  	s19 =	simm.s32 $0x0;
	_ =	swait.ge [sflag:s6], $0x4000  }
0x3a: {  	s29 =	simm.s32 $0x7;
	s7 =	simm.s32 $0x2;
	[sflag:s6] =	ssyncset.done $0x0  }
0x3b: {  	s2 =	simm.s32 $0x13E00;
	s15 =	rddreg [dreg:$0x9];
	[sflag:s6] =	ssyncadd.s32 $0xFFFFC000  }
0x3c: {  	[spmem:s15] =	stream.linear.scatter [tilespmem:s1], [sflag:$0xA], $0x4000, $0x38;
	[tilespmem:$0x1BF00] =	vst v63  }
0x3d: {  	s9 =	simm.s32 $0x1;
	s30 =	simm.s32 $0x1;
	_ =	swait.ge [sflag:s6], $0x4000  }
0x3e: {  	p2 =	sne.s32 s5, $0x1;
	s31 =	simm.s32 $0x2;
	[sflag:s6] =	ssyncset.done $0x0  }
0x3f: {  	s0 =	simm.s32 $0x6;
	s16 =	rddreg [dreg:$0xa];
	[sflag:s6] =	ssyncadd.s32 $0xFFFFC000  }
0x40: {  	[spmem:s16] =	stream.linear.scatter [tilespmem:s1], [sflag:$0xA], $0x4000, $0x38;
	[tilespmem:$0x1BF00] =	vst v63  }
0x41: {  	s21 =	simm.s32 $0x13D80;
	p0 =	por $0x1, $0x1;
	_ =	swait.ge [sflag:s6], $0x4000  }
0x42: {  	s23 =	simm.s32 $0x8;
	s24 =	simm.s32 $0x3;
	[sflag:s6] =	ssyncset.done $0x0  }
0x43: {  	s25 =	simm.s32 $0x13E80;
	s17 =	rddreg [dreg:$0xb];
	[sflag:s6] =	ssyncadd.s32 $0xFFFFC000  }
0x44: {  	[spmem:s17] =	stream.linear.scatter [tilespmem:s1], [sflag:$0xA], $0x4000, $0x38;
	[tilespmem:$0x1BF00] =	vst v63  }
0x45: {  	p3 =	sle.u32 s5, $0x1;
	s20 =	simm.s32 $0x0;
	_ =	swait.ge [sflag:s6], $0x4000  }
0x46: {  	p1 =	sle.u32 s5, $0x2;
	s9 =	sand.u32 $0x1, s9;
	[sflag:s6] =	ssyncset.done $0x0  }
0x47: {  	s7 =	smulhi.u32 $0xAAAAAAAB, s7;
	s18 =	rddreg [dreg:$0xc];
	[sflag:s6] =	ssyncadd.s32 $0xFFFFC000  }
0x48: {  	[spmem:s18] =	stream.linear.scatter [tilespmem:s1], [sflag:$0xA], $0x3C00, $0x38;
	[tilespmem:$0x1BF00] =	vst v63  }
0x49: {  	s11 =	sor.u32 @!p0 $0x8, s9;
	s12 =	sshll.u32 @!p3 s9, $0x7;
	_ =	swait.ge [sflag:s6], $0x3C00  }
0x4a: {  	s13 =	sshll.u32 @!p3 s9, $0xE;
	s12 =	sor.u32 @!p3 $0x13C00, s12;
	[sflag:s6] =	ssyncset.done $0x0  }
0x4b: {  	s14 =	sshrl.u32 s7, $0x1;
	[sflag:s6] =	ssyncadd.s32 $0xFFFFC400;
	s6 =	smulhi.u32 $0xAAAAAAAB, s19  }
0x4c: {  	s13 =	sor.u32 @!p3 $0x13F00, s13;
	s26 =	smul.u32 $0xFFFFFFF4, s14;
	[bflag:$0x0] =	sbarrier.arrive $0xFFFF  }
0x4d: {  	s18 =	sand.u32 $0x1, s20;
	_ =	swait.ge @!p0 [sflag:s11], $0x4000;
	s6 =	sshrl.u32 s6, $0x1  }
0x4e: {  	s28 =	sshll.u32 s18, $0xE;
	[sflag:s11] =	ssyncset.done @!p0 $0x0;
	s22 =	smul.u32 $0xFFFFFFF4, s6  }
0x4f: {  	s6 =	smul.u32 $0xFFFFFA00, s6;
	[sflag:s11] =	ssyncadd.s32 @!p0 $0xFFFFC000;
	s11 =	sadd.s32 @!p3 $0x3, s9  }
0x50: {  	s19 =	sadd.s32 $0x1, s18;
	s9 =	sadd.s32 @!p3 $0x1, s9;
	_ =	swait.ge @!p3 [sflag:s11], $0x80  }
0x51: {  	s6 =	sshra.s32 s6, $0x2;
	[sflag:s11] =	ssyncset.done @!p3 $0x0;
	s1 =	rddreg [dreg:$0x10]  }
0x52: {  	[sflag:s11] =	ssyncadd.s32 @!p3 $0xFFFFFF80;
	s11 =	simm.s32 @!p3 $0x80;
	s7 =	sadd.s32 @!p1 $0xFFFFFFF0, s1  }
0x53: {  	[tilespmem:s13], [sflag:s9] =	stream.indirect.gather @!p3 [hbm4b:s4+s11], $0x80, s12, s11, $0xb8;
	[tilespmem:$0x1BF00] =	vst v63  }
0x54: {  	s9 =	simm.s32 @!p1 $0x0;
	s12 =	sshll.u32 @!p1 s18, $0x7;
	_ =	swait.ge [sflag:s19], $0x4000  }
0x55: {  	s13 =	sadd.s32 @!p1 $0x3, s18;
	s11 =	sshra.s32 s22, $0x2;
	[sflag:s19] =	ssyncset.done $0x0  }
.Ltmp1:
0x56: {  	s12 =	sor.u32 @!p1 $0x13C00, s12;
	[sflag:s19] =	ssyncadd.s32 $0xFFFFC000;
	(pc) =	sbr.rel @!p2 .LBB2_5-.Ltmp1, $4  }
0x57: {  	[tilespmem:s12], [sflag:s13] =	stream.linear.gather @!p1 [hbm4b:s7+s9], $0x80, $0x38;
	[tilespmem:$0x1BF00] =	vst v63  }
0x58: {  	s19 =	sor.u32 $0x13F00, s28;
	s7 =	sadd.s32 $0x20, s1;
	s13 =	sadd.s32 $0x5, s11  }
0x59: {  	s11 =	smul.u32 $0xFFFFFA00, s14;
	s12 =	sadd.s32 $0x13D00, s6;
	s14 =	sshra.s32 s26, $0x2  }
0x5a: {  	s6 =	sor.u32 $0x8, s18;
	s18 =	smov.u32 s1;
	_ =	swait.ge @!p0 [sflag:s13], $0x80  }
.LBB2_4:
0x5b: {  	s16 =	sshra.s32 s11, $0x2;
	[sflag:s13] =	ssyncset.done @!p0 $0x0  }
0x5c: {  	s17 =	smov.u32 s30;
	s30 =	sadd.s32 $0x1, s30;
	s3 =	smov.u32 s31  }
0x5d: {  	s11 =	smov.u32 s0;
	s14 =	sadd.s32 s14, s29;
	s29 =	smov.u32 s23  }
0x5e: {  	s31 =	sadd.s32 $0x1, s31;
	s2 =	sadd.s32 s16, s2;
	[sflag:s13] =	ssyncadd.s32 @!p0 $0xFFFFFF80  }
0x5f: {  	[spmem:s10] =	stream.indirect.scatter.add.f32 [tilespmem:s19], [sflag:s6], $0x80, s12, s8, $0xb8;
	[tilespmem:$0x1BF00] =	vst v63  }
0x60: {  	s0 =	sadd.s32 $0x1, s0;
	p2 =	sne.s32 s30, s5;
	s12 =	smov.u32 s21  }
0x61: {  	[tilespmem:s2], [sflag:s14] =	stream.linear.gather @!p1 [hbm4b:s18+s9], $0x80, $0x38;
	[tilespmem:$0x1BF00] =	vst v63  }
0x62: {  	s6 =	smov.u32 s24;
	s2 =	smov.u32 s25;
	s18 =	smov.u32 s7  }
0x63: {  	s23 =	sadd.s32 $0x1, s23;
	p0 =	seq.s32 s3, $0x1;
	s21 =	sadd.s32 $0x80, s21  }
0x64: {  	p3 =	sge.u32 s30, s5;
	s24 =	sadd.s32 $0x1, s24;
	s25 =	sadd.s32 $0x80, s25  }
0x65: {  	s22 =	simm.s32 @!p3 $0x80;
	s6 =	smulhi.u32 $0xAAAAAAAB, s6;
	s9 =	sand.u32 $0x1, s3  }
0x66: {  	s13 =	sor.u32 @!p0 $0x8, s9;
	s14 =	sshll.u32 @!p3 s9, $0x7;
	s16 =	sshll.u32 @!p3 s9, $0xE  }
0x67: {  	s14 =	sor.u32 @!p3 $0x13C00, s14;
	s16 =	sor.u32 @!p3 $0x13F00, s16;
	_ =	swait.ge @!p0 [sflag:s13], $0x4000  }
0x68: {  	s7 =	sadd.s32 $0x20, s7;
	s19 =	sadd.s32 @!p3 $0x1, s9;
	[sflag:s13] =	ssyncset.done @!p0 $0x0  }
0x69: {  	s3 =	sadd.s32 $0xFFFFFFFF, s3;
	s9 =	sadd.s32 @!p3 $0x3, s9;
	[sflag:s13] =	ssyncadd.s32 @!p0 $0xFFFFC000  }
0x6a: {  	s13 =	smulhi.u32 $0xAAAAAAAB, s17;
	s17 =	sadd.s32 $0x2, s17;
	_ =	swait.ge @!p3 [sflag:s9], $0x80  }
0x6b: {  	s6 =	sshrl.u32 s6, $0x1;
	s3 =	sand.u32 $0x1, s3;
	[sflag:s9] =	ssyncset.done @!p3 $0x0  }
0x6c: {  	p1 =	sge.u32 s17, s5;
	s13 =	sshrl.u32 s13, $0x1;
	[sflag:s9] =	ssyncadd.s32 @!p3 $0xFFFFFF80  }
0x6d: {  	s15 =	sadd.s32 $0x1, s3;
	s17 =	sadd.s32 @!p1 $0xFFFFFFF0, s18;
	s26 =	smul.u32 $0xFFFFFFF4, s13  }
0x6e: {  	s20 =	smul.u32 $0xFFFFFFF4, s6;
	s28 =	sadd.s32 @!p1 $0x3, s3;
	s9 =	simm.s32 @!p1 $0x0  }
0x6f: {  	s8 =	smul.u32 $0xFFFFFA00, s13;
	s13 =	sshll.u32 @!p1 s3, $0x7;
	s26 =	sshra.s32 s26, $0x2  }
0x70: {  	s1 =	sor.u32 @!p1 $0x13C00, s13;
	s13 =	sadd.s32 s26, s11;
	s11 =	smul.u32 $0xFFFFFA00, s6  }
0x71: {  	[tilespmem:s16], [sflag:s19] =	stream.indirect.gather @!p3 [hbm4b:s4+s22], $0x80, s14, s22, $0xb8;
	[tilespmem:$0x1BF00] =	vst v63  }
.Ltmp2:
0x72: {  	s8 =	sshra.s32 s8, $0x2;
	_ =	swait.ge [sflag:s15], $0x4000;
	(pc) =	sbr.rel @p2 .LBB2_4-.Ltmp2, $4  }
0x73: {  	s12 =	sadd.s32 s8, s12;
	s8 =	simm.s32 $0x80;
	[sflag:s15] =	ssyncset.done $0x0  }
0x74: {  	s6 =	sshll.u32 s3, $0xE;
	s14 =	sshra.s32 s20, $0x2;
	[sflag:s15] =	ssyncadd.s32 $0xFFFFC000  }
0x75: {  	[tilespmem:s1], [sflag:s28] =	stream.linear.gather @!p1 [hbm4b:s17+s9], $0x80, $0x38;
	[tilespmem:$0x1BF00] =	vst v63  }
0x76: {  	s19 =	sor.u32 $0x13F00, s6;
	s6 =	sor.u32 $0x8, s3;
	_ =	swait.ge @!p0 [sflag:s13], $0x80  }
.LBB2_5:
0x77: {  	[sflag:s13] =	ssyncset.done @!p0 $0x0  }
0x78: {  	s0 =	sshra.s32 s11, $0x2;
	[sflag:s13] =	ssyncadd.s32 @!p0 $0xFFFFFF80  }
0x79: {  	[spmem:s10] =	stream.indirect.scatter.add.f32 [tilespmem:s19], [sflag:s6], $0x80, s12, s8, $0xb8;
	[tilespmem:$0x1BF00] =	vst v63  }
0x7a: {  	s1 =	sadd.s32 s14, s29;
	s25 =	rddreg [dreg:$0xd];
	s0 =	sadd.s32 s0, s2  }
0x7b: {  	[tilespmem:s0], [sflag:s1] =	stream.linear.gather @!p1 [hbm4b:s18+s9], $0x80, $0x38;
	[tilespmem:$0x1BF00] =	vst v63  }
0x7c: {  	_ =	swait.ge [sflag:s25], $0x4000  }
0x7d: {  	[sflag:s25] =	ssyncset.done $0x0  }
0x7e: {  	[sflag:s25] =	ssyncadd.s32 $0xFFFFC000  }
0x7f: {  	s26 =	stileid.u32;
	[bflag:$0x0] =	sbarrier.arrive $0xFFFF  }
0x80: {  	s6 =	simm.s32 $0xA;
	s0 =	sshll.u32 s26, $0x6;
	s3 =	rddreg [dreg:$0x8]  }
0x81: {  	s0 =	sor.u32 $0x1C0A, s0;
	s29 =	rddreg [dreg:$0xe];
	s28 =	sshrl.u32 s3, $0x3  }
0x82: {  	[hbm:s29], [sflag:s0] =	dma.local [spmem:s28], $0x2780  }
0x83: {  	_ =	swait.ge [sflag:s6], $0x2780  }
0x84: {  	s30 =	rddreg [dreg:$0x11]  }
0x85: {  	s31 =	rddreg [dreg:$0xf];
	s1 =	sadd.s32 $0x1, s30  }
0x86: {  	p0 =	sne.s32 s1, s31  }
.Ltmp3:
0x87: {  	_ = 	snop;
	(pc) =	sbr.rel @p0 .LBB2_1-.Ltmp3, $3  }
0x88: {  	_ =	sdelay $0x1  }
0x89: {  	[sflag:s6] =	ssyncset.done $0x0  }
0x8a: {  	[sflag:s6] =	ssyncadd.s32 $0xFFFFD880  }
0x8b: {  	_ =	sfence.sel $0x180000  }
0x8c: {  	[bflag:$0x0] =	sbarrier.arrive $0xFFFF  }
0x8d: {  	_ =	strace $0x9000004A  }
0x8e: {  	s0 =	stileid.u32;
	[bflag:$0x2] =	sbarrier.arrive $0xFFFF  }
0x8f: {  	p0 =	sne.s32 s0, $0x0;
	s0 =	rddreg [dreg:$0x3]  }
0x90: {  	s0 =	sadd.s32 @!p0 $0x100000, s0  }
0x91: {  	[sflag:s0] =	ssyncadd.tile.s32 @!p0 $0x1;
	_ =	shalt  }
.Lfunc_end2:
_tile_overlayer_lowered:
.L_overlay_start_2:
0x92: {  	(tag) =	ssettag $0x2  }
0x93: {  	s0 =	rddreg [dreg:$0x0];
	s2 =	stileid.u32  }
0x94: {  	s1 =	rddreg [dreg:$0x1];
	p0 =	sne.s32 s2, $0x0  }
0x95: {  	s3 =	rddreg [dreg:$0x2];
	[bflag:$0x3] =	sbarrier.arrive $0xFFFF;
	s2 =	simm.s32 @!p0 $0x1C0A  }
0x96: {  	[timem:s3], [sflag:s2] =	dma.local @!p0 [hbm:s0], s1  }
0x97: {  	s0 =	simm.s32 @!p0 $0xA  }
0x98: {  	_ =	swait.ge @!p0 [sflag:s0], s1  }
0x99: {  	s1 =	ssub.s32 @!p0 $0x0, s1;
	[sflag:s0] =	ssyncset.done @!p0 $0x0  }
0x9a: {  	[sflag:s0] =	ssyncadd.s32 @!p0 s1  }
0x9b: {  	[bflag:$0x3] =	sbarrier.arrive $0xFFFF  }
0x9c: {  	_ =	shalt  }

// kernel: kernel.7.cloned.1.call-start
scs
__scs_entry_jumppad:
0x0: {  	(pc) =	sbr.rel $0x88, $3  }
0x1: {  	(tag) =	ssettag $0x0;
	lr =	simm.s32 $0x1  }
0x2: {  	[smem:$0x3F9D] =	sst lr;
	_ =	strace $0xD0000000  }
0x3: {  	_ = 	snop  }
0x4: {  	_ = 	snop  }
0x5: {  	_ = 	snop  }
0x6: {  	_ = 	snop  }
0x7: {  	_ = 	snop  }
__scs_overlays_trampoline_lowered:
0x8: {  	[smem:$0x3FAC] =	sst s0  }
0x9: {  	[smem:$0x3FAD] =	sst s1  }
0xa: {  	[smem:$0x3FAE] =	sst s2  }
0xb: {  	[smem:$0x3FAF] =	sst s3  }
0xc: {  	[smem:$0x3FB0] =	sst s4  }
0xd: {  	[smem:$0x3FB1] =	sst s5  }
0xe: {  	[smem:$0x3FB2] =	sst s6  }
0xf: {  	[smem:$0x3FB3] =	sst s7  }
0x10: {  	[smem:$0x3FB4] =	sst s8  }
0x11: {  	[smem:$0x3FB5] =	sst s9;
	s0 =	simm.s32 @!p0 $0x0  }
0x12: {  	s1 =	sld [smem:$0x3F9B];
	s0 =	simm.s32 @p0 $0x1  }
0x13: {  	[smem:$0x3FB6] =	sst s0;
	s0 =	simm.s32 @!p1 $0x0  }
0x14: {  	s2 =	sld [smem:$0x3F9A];
	s0 =	simm.s32 @p1 $0x1  }
0x15: {  	[smem:$0x3FB7] =	sst s0;
	s0 =	simm.s32 @!p2 $0x0  }
0x16: {  	s3 =	sld [smem:$0x3FDB];
	s0 =	simm.s32 @p2 $0x1  }
0x17: {  	s4 =	simm.s32 $0x1BF5;
	[smem:$0x3FB9] =	sst s0  }
0x18: {  	s0 =	sld [smem:$0x3F9C];
	_ =	swait.ge [sflag:s4], $0x0  }
0x19: {  	s7 =	sld [smem:$0x3F9D]  }
0x1a: {  	s8 =	sadd.s32 $0xFFFFE003, lr  }
0x1b: {  	s9 =	sadd.s32 $0xFFFFFEF7, lr;
	s5 =	simm.s32 $0xFFFFFFFF;
	p2 =	slt.u32 s8, $0xFFFFF086  }
0x1c: {  	p1 =	slt.u32 s9, $0xF7A;
	s5 =	simm.s32 @!p2 $0x0  }
0x1d: {  	s5 =	simm.s32 @p1 $0x1;
	p0 =	seq.s32 s7, s2  }
0x1e: {  	s7 =	smul.u32 @!p0 $0xF7A, s2;
	p2 =	seq.s32 @!p0 s5, $0x0  }
0x1f: {  	s9 =	smul.u32 $0xF7A, s1;
	s8 =	simm.s32 @!p0 $0x1BF5;
	p2 =	por !p2, p0  }
0x20: {  	[sflag:s8] =	ssyncset.s32 @!p0 $0xFFFFF086;
	s6 =	sadd.s32 @!p0 s3, s7;
	s7 =	simm.s32 @!p0 $0x108  }
0x21: {  	s3 =	sadd.s32 s3, s9;
	s6 =	sadd.s32 @!p0 $0x88, s6;
	s7 =	simm.s32 @p2 $0x1082  }
0x22: {  	[simem:s7], [sflag:s8] =	dma.local @!p0 [hbm:s6], $0xF7A  }
0x23: {  	s9 =	sor.u32 $0xD0000000, s2;
	s6 =	simm.s32 $0x108;
	_ =	swait.ge @!p0 [sflag:s8], $0x0  }
0x24: {  	s3 =	sadd.s32 $0x88, s3;
	s6 =	simm.s32 @!p1 $0x1082;
	[sflag:s4] =	ssyncset.s32 $0xFFFFF086  }
0x25: {  	[simem:s6], [sflag:s4] =	dma.local [hbm:s3], $0xF7A  }
0x26: {  	[smem:$0x3F9D] =	sst s1;
	(tag) =	ssettag s2;
	_ =	strace s9  }
0x27: {  	s1 =	sld [smem:$0x3FAD]  }
0x28: {  	s2 =	sld [smem:$0x3FAE]  }
0x29: {  	s4 =	sld [smem:$0x3FB0]  }
0x2a: {  	p0 =	seq.s32 s5, $0x0;
	s5 =	sld [smem:$0x3FB1]  }
0x2b: {  	s6 =	sld [smem:$0x3FB2]  }
0x2c: {  	s7 =	sld [smem:$0x3FB3]  }
0x2d: {  	s3 =	simm.s32 $0x108;
	s8 =	sld [smem:$0x3FB4]  }
0x2e: {  	s3 =	simm.s32 @!p0 $0x1082;
	s9 =	sld [smem:$0x3FB5]  }
0x2f: {  	lr =	sadd.s32 s0, s3;
	s0 =	sld [smem:$0x3FAC]  }
0x30: {  	s3 =	sld [smem:$0x3FAF]  }
0x31: {  	[smem:$0x3FB8] =	sst s10  }
0x32: {  	s10 =	sld [smem:$0x3FB6];
	_ =	sdelay $0x3  }
0x33: {  	p0 =	seq.s32 s10, $0x1;
	s10 =	sld [smem:$0x3FB8];
	_ =	sdelay $0x3  }
0x34: {  	[smem:$0x3FB8] =	sst s10  }
0x35: {  	s10 =	sld [smem:$0x3FB7];
	_ =	sdelay $0x3  }
0x36: {  	p1 =	seq.s32 s10, $0x1;
	s10 =	sld [smem:$0x3FB8];
	_ =	sdelay $0x3  }
0x37: {  	[smem:$0x3FB8] =	sst s10  }
0x38: {  	s10 =	sld [smem:$0x3FB9]  }
0x39: {  	_ = 	snop;
	(pc) =	sbr.ind lr, $3  }
0x3a: {  	_ = 	snop  }
0x3b: {  	_ = 	snop  }
0x3c: {  	p2 =	seq.s32 s10, $0x1;
	s10 =	sld [smem:$0x3FB8]  }
0x3d: {  	_ =	shalt  }
0x3e: {  	_ =	shalt  }
0x3f: {  	_ =	shalt  }
0x40: {  	_ =	shalt  }
0x41: {  	_ =	shalt  }
0x42: {  	_ =	shalt  }
0x43: {  	_ =	shalt  }
0x44: {  	_ =	shalt  }
0x45: {  	_ =	shalt  }
0x46: {  	_ =	shalt  }
0x47: {  	_ =	shalt  }
0x48: {  	_ =	shalt  }
0x49: {  	_ =	shalt  }
0x4a: {  	_ =	shalt  }
0x4b: {  	_ =	shalt  }
0x4c: {  	_ =	shalt  }
0x4d: {  	_ =	shalt  }
0x4e: {  	_ =	shalt  }
0x4f: {  	_ =	shalt  }
0x50: {  	_ =	shalt  }
0x51: {  	_ =	shalt  }
0x52: {  	_ =	shalt  }
0x53: {  	_ =	shalt  }
0x54: {  	_ =	shalt  }
0x55: {  	_ =	shalt  }
0x56: {  	_ =	shalt  }
0x57: {  	_ =	shalt  }
0x58: {  	_ =	shalt  }
0x59: {  	_ =	shalt  }
0x5a: {  	_ =	shalt  }
0x5b: {  	_ =	shalt  }
0x5c: {  	_ =	shalt  }
0x5d: {  	_ =	shalt  }
0x5e: {  	_ =	shalt  }
0x5f: {  	_ =	shalt  }
0x60: {  	_ =	shalt  }
0x61: {  	_ =	shalt  }
0x62: {  	_ =	shalt  }
0x63: {  	_ =	shalt  }
0x64: {  	_ =	shalt  }
0x65: {  	_ =	shalt  }
0x66: {  	_ =	shalt  }
0x67: {  	_ =	shalt  }
0x68: {  	_ =	shalt  }
0x69: {  	_ =	shalt  }
0x6a: {  	_ =	shalt  }
0x6b: {  	_ =	shalt  }
0x6c: {  	_ =	shalt  }
0x6d: {  	_ =	shalt  }
0x6e: {  	_ =	shalt  }
0x6f: {  	_ =	shalt  }
0x70: {  	_ =	shalt  }
0x71: {  	_ =	shalt  }
0x72: {  	_ =	shalt  }
0x73: {  	_ =	shalt  }
0x74: {  	_ =	shalt  }
0x75: {  	_ =	shalt  }
0x76: {  	_ =	shalt  }
0x77: {  	_ =	shalt  }
0x78: {  	_ =	shalt  }
0x79: {  	_ =	shalt  }
0x7a: {  	_ =	shalt  }
0x7b: {  	_ =	shalt  }
0x7c: {  	_ =	shalt  }
0x7d: {  	_ =	shalt  }
0x7e: {  	_ =	shalt  }
0x7f: {  	_ =	shalt  }
0x80: {  	_ =	shalt  }
0x81: {  	_ =	shalt  }
0x82: {  	_ =	shalt  }
0x83: {  	_ =	shalt  }
0x84: {  	_ =	shalt  }
0x85: {  	_ =	shalt  }
0x86: {  	_ =	shalt  }
0x87: {  	_ =	shalt  }
.Lfunc_end0:
.L_simem_size_0:
called_computation_lowered:
.L_overlay_start_0:
0x88: {  	s2 =	sld [smem:$0x3FD9]  }
0x89: {  	s3 =	sld [smem:$0x3FFE];
	_ =	sdelay $0x1  }
0x8a: {  	s1 =	srdreg.scid  }
0x8b: {  	s0 =	sand.u32 $0x1, s1  }
0x8c: {  	s18 =	sshll.u32 s0, $0xA;
	s2 =	sadd.s32 s3, s2  }
0x8d: {  	s2 =	sadd.s32 s2, s18  }
0x8e: {  	[smem:$0x3FC4] =	sst s2  }
0x8f: {  	_ = 	snop  }
0x90: {  	s2 =	sld [smem:$0x3FC8]  }
0x91: {  	s19 =	sld [smem:$0x3FD0];
	(tm) =	ssettm $0x1  }
0x92: {  	s4 =	sld [smem:$0x3FFB];
	_ =	sdelay $0x3  }
0x93: {  	_ =	strace s4  }
0x94: {  	s4 =	sld [smem:$0x3FFC];
	_ =	sdelay $0x3  }
0x95: {  	_ =	strace s4  }
0x96: {  	s4 =	sld [smem:$0x3FFD];
	_ =	sdelay $0x3  }
0x97: {  	_ =	strace s4  }
0x98: {  	_ =	strace $0x8FFFFFFF  }
0x99: {  	s20 =	sld [smem:$0x3FDB];
	_ =	sdelay $0x1  }
0x9a: {  	s5 =	simm.s32 $_scs_section_size  }
0x9b: {  	s6 =	simm.s32 $_size__tile_overlayer_lowered;
	s7 =	simm.s32 $_tile_overlayer_lowered  }
0x9c: {  	s23 =	simm.s32 $0x1BFF;
	s22 =	sshll.u32 s7, $0x1;
	s4 =	sadd.s32 s5, s20  }
0x9d: {  	s8 =	simm.s32 $0x0;
	s21 =	sshll.u32 s6, $0x1;
	s6 =	sadd.s32 s22, s4  }
0x9e: {  	[timem:s8], [sflag:s23] =	dma.local [hbm:s6], s21  }
0x9f: {  	_ =	swait.ge [sflag:s23], s21  }
0xa0: {  	s5 =	ssub.s32 $0x0, s21;
	[sflag:s23] =	ssyncset.done $0x0  }
0xa1: {  	[sflag:s23] =	ssyncadd.s32 s5;
	_ =	sdelay $0x1  }
0xa2: {  	s24 =	simm.s32 $0x1B8B  }
0xa3: {  	_ =	swait.ge [sflag:s24], $0x1  }
0xa4: {  	[sflag:s24] =	ssyncset.done $0x0  }
0xa5: {  	s25 =	simm.s32 $0x1B8E;
	[sflag:s24] =	ssyncadd.s32 $0xFFFFFFFF  }
0xa6: {  	s26 =	simm.s32 $execute0_lowered;
	[smem:$0x3FD2] =	sst s25  }
0xa7: {  	s5 =	sshll.u32 s26, $0x1;
	_ =	strace $0x80000046;
	[dreg:$0x1] =	wrdreg $0xFFFFFFFF  }
0xa8: {  	s28 =	simm.s32 $_size_execute0_lowered;
	s4 =	sadd.s32 s4, s5;
	[dreg:$0x0] =	wrdreg $0x0  }
0xa9: {  	s5 =	sshll.u32 s28, $0x1;
	[dreg:$0x2] =	wrdreg s4  }
0xaa: {  	[dreg:$0x3] =	wrdreg s5  }
0xab: {  	[dreg:$0x4] =	wrdreg $0xC0  }
0xac: {  	_ =	task [dreg:s8], $0x5FFFF  }
0xad: {  	[dreg:$0x1] =	wrdreg $0xFFFFFFFF  }
0xae: {  	[dreg:$0x0] =	wrdreg $0x60  }
0xaf: {  	[dreg:$0x2] =	wrdreg s2  }
0xb0: {  	[dreg:$0x3] =	wrdreg s19  }
0xb1: {  	[dreg:$0x4] =	wrdreg $0x0  }
0xb2: {  	[dreg:$0x5] =	wrdreg $0x9  }
0xb3: {  	_ =	task.clear_ibuf [dreg:s8], $0x6FFFF;
	_ =	strace $0x90000046  }
0xb4: {  	s29 =	simm.s32 $0x9;
	_ =	strace $0x80000048  }
0xb5: {  	_ =	swait.ge [sflag:s29], $0x1  }
0xb6: {  	[sflag:s29] =	ssyncadd.s32 $0xFFFFFFFF  }
0xb7: {  	_ =	strace $0x90000048  }
0xb8: {  	_ =	sfence  }
0xb9: {  	s30 =	sld [smem:$0x0];
	_ =	sdelay $0x2  }
0xba: {  	s31 =	sshll.u32 s1, $0xD;
	s1 =	sshrl.u32 s1, $0x2  }
0xbb: {  	s3 =	sand.u32 $0x4000, s31;
	s1 =	sadd.s32 s1, s30  }
0xbc: {  	s0 =	sor.u32 s3, s0;
	s1 =	sshll.u32 s1, $0x11  }
0xbd: {  	s0 =	sor.u32 s1, s0  }
0xbe: {  	s0 =	sadd.s32 $0x8F2B, s0  }
0xbf: {  	[sflag:s0] =	ssyncadd.remote.s32 $0x1  }
0xc0: {  	_ =	sfence.sel $0xFFFF  }
0xc1: {  	[dreg:$0x0] =	wrdreg $0xFFFFFFFF;
	(pc) =	sbr.abs _section_cstart, $3  }
0xc2: {  	[dreg:$0x1] =	wrdreg $0xFFFFFFFF  }
0xc3: {  	_ =	task.clear_ibuf [dreg:s8], $0x2FFFF;
	_ =	strace $0x9FFFFFFF  }
0xc4: {  	(tm) =	ssettm $0x7FFFFFFF  }
0xc5: {  	_ =	shalt  }
tec
execute0_lowered:
.L_overlay_start_1:
0x0: {  	(tag) =	ssettag $0x1  }
0x1: {  	s8 =	rddreg [dreg:$0x0]  }
0x2: {  	s6 =	rddreg [dreg:$0x1]  }
0x3: {  	s1 =	rddreg [dreg:$0x2]  }
0x4: {  	s0 =	rddreg [dreg:$0x3]  }
0x5: {  	s3 =	simm.s32 $0x0;
	s4 =	srdreg.scid;
	s2 =	stileid.u32  }
0x6: {  	s14 =	simm.s32 $0x2;
	s16 =	simm.s32 $0x20;
	s9 =	smul.u32 $0xA00, s2  }
0x7: {  	s17 =	simm.s32 $0x10;
	s18 =	simm.s32 $0x0;
	s13 =	smul.u32 $0x4E, s2  }
0x8: {  	[smem:$0x7FF] =	sst s3;
	s5 =	sand.u32 $0x1, s4;
	s29 =	smul.u32 $0x500, s2  }
0x9: {  	s15 =	sshll.u32 s2, $0x6;
	_ =	strace $0x80000047;
	s7 =	ssub.s32 $0x2, s5  }
0xa: {  	s4 =	sshll.u32 s5, $0x4;
	s12 =	smul.u32 $0x4E0, s5;
	s5 =	sshll.u32 s5, $0x7  }
0xb: {  	s15 =	sor.u32 $0x1C03, s15;
	s10 =	sshrl.u32 s7, $0x1;
	s11 =	sor.u32 s2, s4  }
0xc: {  	s4 =	simm.s32 $0x4F;
	s9 =	sshrl.u32 s9, $0x2;
	p0 =	slt.u32 s11, $0x4  }
0xd: {  	s7 =	ssub.s32 s7, s10;
	s12 =	sadd.s32 s13, s12;
	s11 =	smin.u32 s11, $0x4  }
0xe: {  	s10 =	sor.u32 s5, s29;
	s5 =	sadd.s32 s9, s1;
	s9 =	simm.s32 $0x2B00  }
0xf: {  	s13 =	simm.s32 $0x2A80;
	s4 =	simm.s32 @!p0 $0x4E;
	s11 =	sadd.s32 s11, s12  }
0x10: {  	s30 =	sshrl.u32 s10, $0x3;
	s7 =	smax.u32 s7, $0x1;
	s31 =	sshll.u32 s11, $0x5  }
0x11: {  	s10 =	simm.s32 $0x3;
	s12 =	simm.s32 $0x80;
	s8 =	sadd.s32 s31, s8  }
0x12: {  	v0 =	vimm.f32 $1.000000000e+00;
	v1 =	vimm.f32 $0.0e+00;
	s6 =	sadd.s32 s6, s30;
	s11 =	simm.s32 $0x1;
	s8 =	sadd.s32 $0x10, s8  }
.LBB2_1:
0x13: {  	p0 =	sne.s32 s4, $0x1  }
.Ltmp0:
0x14: {  	_ = 	snop;
	(pc) =	sbr.rel @!p0 .LBB2_3-.Ltmp0, $4  }
0x15: {  	_ = 	snop  }
0x16: {  	s19 =	simm.s32 $0x280  }
0x17: {  	s20 =	sadd.s32 $0xFFFFFFFF, s4;
	s21 =	simm.s32 $0x280;
	s22 =	smov.u32 s8  }
0x18: {  	[tilespmem:s19], [sflag:$0x1] =	stream.linear.gather [hbm4b:s8+s3], $0x80, $0x38;
	[tilespmem:$0x2D80] =	vst v63  }
.LBB2_2:
0x19: {  	p1 =	sne.s32 s20, $0x1  }
.Ltmp1:
0x1a: {  	_ = 	snop;
	(pc) =	sbr.rel @p1 .LBB2_2-.Ltmp1, $4  }
0x1b: {  	_ = 	snop  }
0x1c: {  	s21 =	sadd.s32 $0x80, s21;
	s22 =	sadd.s32 $0x20, s22  }
0x1d: {  	s20 =	sadd.s32 $0xFFFFFFFF, s20  }
0x1e: {  	[tilespmem:s21], [sflag:$0x1] =	stream.linear.gather [hbm4b:s22+s3], $0x80, $0x38;
	[tilespmem:$0x2D80] =	vst v63  }
.LBB2_3:
0x1f: {  	[tilespmem:$0x2A80] =	vst v0  }
0x20: {  	[tilespmem:$0x2A90] =	vst v0  }
0x21: {  	[tilespmem:$0x2AA0] =	vst v0  }
0x22: {  	[tilespmem:$0x2AB0] =	vst v0  }
0x23: {  	[tilespmem:$0x2AC0] =	vst v0  }
0x24: {  	[tilespmem:$0x2AD0] =	vst v0  }
0x25: {  	[tilespmem:$0x2AE0] =	vst v0  }
0x26: {  	[tilespmem:$0x2AF0] =	vst v0  }
0x27: {  	[tilespmem:$0x2B00] =	vst v1  }
0x28: {  	[tilespmem:$0x2B10] =	vst v1  }
0x29: {  	[tilespmem:$0x2B20] =	vst v1  }
0x2a: {  	[tilespmem:$0x2B30] =	vst v1  }
0x2b: {  	[tilespmem:$0x2B40] =	vst v1  }
0x2c: {  	[tilespmem:$0x2B50] =	vst v1  }
0x2d: {  	[tilespmem:$0x2B60] =	vst v1  }
0x2e: {  	[tilespmem:$0x2B70] =	vst v1  }
0x2f: {  	[tilespmem:$0x2B80] =	vst v1  }
0x30: {  	[tilespmem:$0x2B90] =	vst v1  }
0x31: {  	[tilespmem:$0x2BA0] =	vst v1  }
0x32: {  	[tilespmem:$0x2BB0] =	vst v1  }
0x33: {  	[tilespmem:$0x2BC0] =	vst v1  }
0x34: {  	[tilespmem:$0x2BD0] =	vst v1  }
0x35: {  	[tilespmem:$0x2BE0] =	vst v1  }
0x36: {  	[tilespmem:$0x2BF0] =	vst v1  }
0x37: {  	[tilespmem:$0x2C00] =	vst v1  }
0x38: {  	[tilespmem:$0x2C10] =	vst v1  }
0x39: {  	[tilespmem:$0x2C20] =	vst v1  }
0x3a: {  	[tilespmem:$0x2C30] =	vst v1  }
0x3b: {  	[tilespmem:$0x2C40] =	vst v1  }
0x3c: {  	[tilespmem:$0x2C50] =	vst v1  }
0x3d: {  	[tilespmem:$0x2C60] =	vst v1  }
0x3e: {  	[tilespmem:$0x2C70] =	vst v1  }
0x3f: {  	[tilespmem:$0x2C80] =	vst v1  }
0x40: {  	[tilespmem:$0x2C90] =	vst v1  }
0x41: {  	[tilespmem:$0x2CA0] =	vst v1  }
0x42: {  	[tilespmem:$0x2CB0] =	vst v1  }
0x43: {  	[tilespmem:$0x2CC0] =	vst v1  }
0x44: {  	[tilespmem:$0x2CD0] =	vst v1  }
0x45: {  	[tilespmem:$0x2CE0] =	vst v1  }
0x46: {  	[tilespmem:$0x2CF0] =	vst v1  }
0x47: {  	[tilespmem:$0x2D00] =	vst v1  }
0x48: {  	[tilespmem:$0x2D10] =	vst v1  }
0x49: {  	[tilespmem:$0x2D20] =	vst v1  }
0x4a: {  	[tilespmem:$0x2D30] =	vst v1  }
0x4b: {  	[tilespmem:$0x2D40] =	vst v1  }
0x4c: {  	[tilespmem:$0x2D50] =	vst v1  }
0x4d: {  	[tilespmem:$0x2D60] =	vst v1  }
0x4e: {  	[tilespmem:$0x2D70] =	vst v1  }
0x4f: {  	[spmem:s5] =	stream.linear.scatter [tilespmem:s9], [sflag:$0x3], $0x280, $0x38;
	[tilespmem:$0x2D80] =	vst v63  }
0x50: {  	_ =	swait.ge [sflag:s10], $0x280  }
0x51: {  	[sflag:s10] =	ssyncset.done $0x0  }
0x52: {  	[sflag:s10] =	ssyncadd.s32 $0xFFFFFD80  }
.Ltmp2:
0x53: {  	[bflag:$0x0] =	sbarrier.arrive $0xFFFF;
	(pc) =	sbr.rel @!p0 .LBB2_5-.Ltmp2, $4  }
0x54: {  	_ =	swait.ge [sflag:s11], $0x80  }
0x55: {  	[sflag:s11] =	ssyncset.done $0x0  }
0x56: {  	s20 =	sadd.s32 $0xFFFFFFFF, s4;
	[sflag:s11] =	ssyncadd.s32 $0xFFFFFF80  }
0x57: {  	[spmem:s1] =	stream.indirect.scatter.add.f32 [tilespmem:s13], [sflag:$0x2], $0x1, s19, s12, $0xb8;
	[tilespmem:$0x2D80] =	vst v63  }
.LBB2_4:
0x58: {  	_ =	swait.ge [sflag:s11], $0x80;
	p1 =	sne.s32 s20, $0x1  }
.Ltmp3:
0x59: {  	(pc) =	sbr.rel @p1 .LBB2_4-.Ltmp3, $4  }
0x5a: {  	_ = 	snop  }
0x5b: {  	s19 =	sadd.s32 $0x80, s19;
	[sflag:s11] =	ssyncset.done $0x0  }
0x5c: {  	s20 =	sadd.s32 $0xFFFFFFFF, s20;
	[sflag:s11] =	ssyncadd.s32 $0xFFFFFF80  }
0x5d: {  	[spmem:s1] =	stream.indirect.scatter.add.f32 [tilespmem:s13], [sflag:$0x2], $0x1, s19, s12, $0xb8;
	[tilespmem:$0x2D80] =	vst v63  }
.LBB2_5:
.Ltmp4:
0x5e: {  	(pc) =	sbr.rel @!p0 .LBB2_7-.Ltmp4, $3  }
0x5f: {  	_ =	sdelay $0x1  }
0x60: {  	_ =	swait.ge [sflag:s14], $0x80  }
0x61: {  	s19 =	sadd.s32 $0xFFFFFFFF, s4;
	[sflag:s14] =	ssyncset.done $0x0  }
.LBB2_6:
0x62: {  	p0 =	sne.s32 s19, $0x1;
	s19 =	sadd.s32 $0xFFFFFFFF, s19;
	[sflag:s14] =	ssyncadd.s32 $0xFFFFFF80  }
.Ltmp5:
0x63: {  	(pc) =	sbr.rel @p0 .LBB2_6-.Ltmp5, $3  }
0x64: {  	_ =	sdelay $0x1  }
0x65: {  	_ =	swait.ge [sflag:s14], $0x80  }
0x66: {  	[sflag:s14] =	ssyncset.done $0x0  }
.LBB2_7:
0x67: {  	s18 =	sadd.s32 $0x1, s18  }
0x68: {  	[sflag:s14] =	ssyncadd.s32 $0xFFFFFF80;
	p0 =	sne.s32 s18, s7  }
.Ltmp6:
0x69: {  	s19 =	sshrl.u32 s5, $0x3;
	[bflag:$0x0] =	sbarrier.arrive $0xFFFF;
	(pc) =	sbr.rel @p0 .LBB2_1-.Ltmp6, $4  }
0x6a: {  	[hbm:s6@s16], [sflag:s15] =	dma.strided [spmem:s19@s17], $0x50, s11, $0x10   }
0x6b: {  	_ =	swait.ge [sflag:s10], $0x50  }
0x6c: {  	[sflag:s10] =	ssyncset.done $0x0  }
0x6d: {  	[sflag:s10] =	ssyncadd.s32 $0xFFFFFFB0  }
0x6e: {  	_ =	sfence.sel $0x180000  }
0x6f: {  	[bflag:$0x0] =	sbarrier.arrive $0xFFFF  }
0x70: {  	p0 =	sne.s32 s2, $0x0;
	_ =	strace $0x90000047  }
0x71: {  	s0 =	sadd.s32 @!p0 $0x100000, s0;
	[bflag:$0x2] =	sbarrier.arrive $0xFFFF  }
0x72: {  	[sflag:s0] =	ssyncadd.tile.s32 @!p0 $0x1;
	_ =	shalt  }
.Lfunc_end2:
_tile_overlayer_lowered:
.L_overlay_start_2:
0x73: {  	(tag) =	ssettag $0x2  }
0x74: {  	s0 =	rddreg [dreg:$0x0];
	s2 =	stileid.u32  }
0x75: {  	s1 =	rddreg [dreg:$0x1];
	p0 =	sne.s32 s2, $0x0  }
0x76: {  	s3 =	rddreg [dreg:$0x2];
	[bflag:$0x3] =	sbarrier.arrive $0xFFFF;
	s2 =	simm.s32 @!p0 $0x1C03  }
0x77: {  	[timem:s3], [sflag:s2] =	dma.local @!p0 [hbm:s0], s1  }
0x78: {  	s0 =	simm.s32 @!p0 $0x3  }
0x79: {  	_ =	swait.ge @!p0 [sflag:s0], s1  }
0x7a: {  	s1 =	ssub.s32 @!p0 $0x0, s1;
	[sflag:s0] =	ssyncset.done @!p0 $0x0  }
0x7b: {  	[sflag:s0] =	ssyncadd.s32 @!p0 s1  }
0x7c: {  	[bflag:$0x3] =	sbarrier.arrive $0xFFFF  }
0x7d: {  	_ =	shalt  }

</sc_bundles>
